<compile_context>
chip_gen: v7x
topology: tpu7x:2x2x1
jax: 0.10.2.dev20260603
libtpu: 0.0.44.dev20260713+nightly
codegen_flags: <defaults>
</compile_context>

<pallas_src>
import jax
import jax.numpy as jnp
from jax import lax
from jax.experimental import pallas as pl
from jax.experimental.pallas import tpu as pltpu
from jax.experimental.pallas import tpu_sc as plsc

_CH = 32
_NCH = 1024 // _CH
_NW = 32


def _sc_body(x_hbm, kk_hbm, tok_hbm, out_hbm,
             kk_v, mask_buf, buf_a, buf_b, buf_m,
             sem_fill, sem_mix, sem_out_a, sem_out_b, sem_in_a, sem_in_b):
    c = lax.axis_index("c")
    s = lax.axis_index("s")
    w = s * 2 + c

    pltpu.sync_copy(kk_hbm, kk_v.at[pl.ds(0, 16)])

    for i in range(_CH):
        pltpu.async_copy(tok_hbm, mask_buf.at[i], sem_fill)
    pltpu.make_async_copy(x_hbm.at[0, 0, pl.ds(0, _CH)], mask_buf,
                          sem_fill).wait()

    def task(j, carry):
        b = j // 16
        t = j % 16
        kk = kk_v[pl.ds(t, 16)][0]
        ci = lax.rem(w + j, _NW)
        lo = ci * _CH
        hi = lo + _CH
        sl = pl.ds(lo, _CH)

        is_copy = kk >= hi
        is_fill = kk <= lo
        is_mixed = jnp.logical_and(kk > lo, kk < hi)

        @pl.when(is_fill)
        def _fill():
            pltpu.async_copy(mask_buf, out_hbm.at[b, t, sl], sem_fill)

        cnt = carry[2]
        pj = carry[3]
        plo = pl.multiple_of(carry[4], _CH)

        @pl.when(jnp.logical_and(is_copy, lax.rem(cnt, 2) == 0))
        def _copy_a():
            @pl.when(cnt >= 2)
            def _():
                pltpu.make_async_copy(buf_a,
                                      out_hbm.at[0, 0, pl.ds(0, _CH)],
                                      sem_out_a).wait()
            pltpu.async_copy(x_hbm.at[b, t, sl], buf_a, sem_in_a)

            @pl.when(cnt >= 1)
            def _():
                pltpu.make_async_copy(x_hbm.at[0, 0, pl.ds(0, _CH)],
                                      buf_b, sem_in_b).wait()
                pltpu.async_copy(buf_b,
                                 out_hbm.at[pj // 16, pj % 16,
                                            pl.ds(plo, _CH)], sem_out_b)

        @pl.when(jnp.logical_and(is_copy, lax.rem(cnt, 2) == 1))
        def _copy_b():
            @pl.when(cnt >= 2)
            def _():
                pltpu.make_async_copy(buf_b,
                                      out_hbm.at[0, 0, pl.ds(0, _CH)],
                                      sem_out_b).wait()
            pltpu.async_copy(x_hbm.at[b, t, sl], buf_b, sem_in_b)

            pltpu.make_async_copy(x_hbm.at[0, 0, pl.ds(0, _CH)],
                                  buf_a, sem_in_a).wait()
            pltpu.async_copy(buf_a,
                             out_hbm.at[pj // 16, pj % 16,
                                        pl.ds(plo, _CH)], sem_out_a)

        @pl.when(is_mixed)
        def _mixed():
            m_used = carry[1]

            @pl.when(m_used > 0)
            def _():
                pltpu.make_async_copy(buf_m,
                                      out_hbm.at[0, 0, pl.ds(0, _CH)],
                                      sem_mix).wait()

            pltpu.sync_copy(x_hbm.at[b, t, sl], buf_m)
            r = kk - lo

            def row(n, rc):
                @pl.when(n < r)
                def _():
                    pltpu.async_copy(buf_m.at[n], out_hbm.at[b, t, lo + n],
                                     sem_mix)

                @pl.when(n >= r)
                def _():
                    pltpu.async_copy(mask_buf.at[0], out_hbm.at[b, t, lo + n],
                                     sem_mix)

                return rc

            lax.fori_loop(0, _CH, row, 0)

        one = jnp.int32(1)
        zero = jnp.int32(0)
        nfill = carry[0] + jnp.where(is_fill, one, zero)
        m_used = carry[1] + jnp.where(is_mixed, one, zero)
        pj = jnp.where(is_copy, j, pj).astype(pj.dtype)
        plo = jnp.where(is_copy, lo, plo).astype(plo.dtype)
        cnt = cnt + jnp.where(is_copy, one, zero)
        return nfill, m_used, cnt, pj, plo

    nfill, m_used, cnt, pj, plo = lax.fori_loop(
        0, _NW, task,
        (jnp.int32(0), jnp.int32(0), jnp.int32(0), jnp.int32(0), jnp.int32(0)))

    plo = pl.multiple_of(plo, _CH)

    @pl.when(cnt >= 1)
    def _():
        @pl.when(lax.rem(cnt, 2) == 1)
        def _():
            pltpu.make_async_copy(x_hbm.at[0, 0, pl.ds(0, _CH)],
                                  buf_a, sem_in_a).wait()
            pltpu.async_copy(buf_a,
                             out_hbm.at[pj // 16, pj % 16, pl.ds(plo, _CH)],
                             sem_out_a)

        @pl.when(lax.rem(cnt, 2) == 0)
        def _():
            pltpu.make_async_copy(x_hbm.at[0, 0, pl.ds(0, _CH)],
                                  buf_b, sem_in_b).wait()
            pltpu.async_copy(buf_b,
                             out_hbm.at[pj // 16, pj % 16, pl.ds(plo, _CH)],
                             sem_out_b)

    def drain_fill(i, carry):
        pltpu.make_async_copy(mask_buf,
                              out_hbm.at[0, 0, pl.ds(0, _CH)], sem_fill).wait()
        return carry

    lax.fori_loop(0, nfill, drain_fill, 0)

    @pl.when(m_used > 0)
    def _():
        pltpu.make_async_copy(buf_m,
                              out_hbm.at[0, 0, pl.ds(0, _CH)], sem_mix).wait()

    @pl.when(cnt >= 1)
    def _():
        @pl.when(lax.rem(cnt, 2) == 1)
        def _():
            pltpu.make_async_copy(buf_a,
                                  out_hbm.at[0, 0, pl.ds(0, _CH)],
                                  sem_out_a).wait()

        @pl.when(lax.rem(cnt, 2) == 0)
        def _():
            pltpu.make_async_copy(buf_b,
                                  out_hbm.at[0, 0, pl.ds(0, _CH)],
                                  sem_out_b).wait()

    @pl.when(cnt >= 2)
    def _():
        @pl.when(lax.rem(cnt, 2) == 1)
        def _():
            pltpu.make_async_copy(buf_b,
                                  out_hbm.at[0, 0, pl.ds(0, _CH)],
                                  sem_out_b).wait()

        @pl.when(lax.rem(cnt, 2) == 0)
        def _():
            pltpu.make_async_copy(buf_a,
                                  out_hbm.at[0, 0, pl.ds(0, _CH)],
                                  sem_out_a).wait()


def kernel(x, keep_k, mask_token):
    D = x.shape[-1]
    mesh = plsc.VectorSubcoreMesh(core_axis_name="c", subcore_axis_name="s",
                                  num_cores=2, num_subcores=16)
    f = pl.kernel(
        _sc_body,
        out_type=jax.ShapeDtypeStruct(x.shape, x.dtype),
        mesh=mesh,
        scratch_types=[
            pltpu.VMEM((32,), jnp.int32),
            pltpu.VMEM((_CH, D), jnp.float32),
            pltpu.VMEM((_CH, D), jnp.float32),
            pltpu.VMEM((_CH, D), jnp.float32),
            pltpu.VMEM((_CH, D), jnp.float32),
            pltpu.SemaphoreType.DMA,
            pltpu.SemaphoreType.DMA,
            pltpu.SemaphoreType.DMA,
            pltpu.SemaphoreType.DMA,
            pltpu.SemaphoreType.DMA,
            pltpu.SemaphoreType.DMA,
        ],
    )
    return f(x, keep_k.astype(jnp.int32), mask_token)

# --- scband reference (transcript-rebuilt; emitter-appended) ---
"""Pipeline reference for scband-temporal-masked-nested-dropout-62689342652762 (READ-ONLY COPY).

The authoritative reference and input builder live on the scoring server;
editing this copy changes nothing except your own understanding.
"""

import jax, jax.numpy as jnp
import numpy as np


def setup_inputs(seed: int = 0) -> dict:
    key = jax.random.key(seed)
    k1, k2, k3 = jax.random.split(key, 3)
    B, T, N, D = 2, 16, 1024, 768
    x = jax.random.normal(k1, (B, T, N, D), dtype=jnp.float32)
    keep_k = jax.random.randint(k2, (T,), 0, N)
    # learned dropout mask token (trunc_normal std=0.02 in torch; normal*0.02 here)
    mask_token = jax.random.normal(k3, (D,), dtype=jnp.float32) * 0.02
    return {"x": x, "keep_k": keep_k, "mask_token": mask_token}


def reference(x, keep_k, mask_token):
    # Faithful port of TemporalMaskedNestedDropout._mask_keep (eval path with
    # per-timestep keep_k): tokens with index >= keep_k[t] are replaced by the
    # learned dropout mask token.
    T, N = x.shape[-3], x.shape[-2]
    kk = jnp.clip(keep_k.astype(jnp.int64), 0, N)
    mask_TN = jnp.arange(N, dtype=jnp.int64)[None, :] < kk[:, None]  # [T, N]
    mask = mask_TN.reshape((1,) * (x.ndim - 3) + (T, N, 1))
    return jnp.where(mask, x, mask_token)

if __name__ == "__main__":
    import jax
    _d = setup_inputs()
    print(jax.jit(kernel)(*tuple(_d.values())))

</pallas_src>

<mosaic_0001>
#map = affine_map<(d0, d1) -> (0, 0, 0, 0)>
#map1 = affine_map<(d0, d1) -> (0)>
module attributes {stable_mosaic.version = 14 : i64} {
  func.func @_sc_body(%arg0: i32, %arg1: i32, %arg2: memref<2x16x1024x768xf32, #tpu.memory_space<hbm>>, %arg3: memref<16xi32, #tpu.memory_space<hbm>>, %arg4: memref<768xf32, #tpu.memory_space<hbm>>, %arg5: memref<2x16x1024x768xf32, #tpu.memory_space<hbm>>, %arg6: memref<32xi32, #tpu.memory_space<vmem>>, %arg7: memref<32x768xf32, #tpu.memory_space<vmem>>, %arg8: memref<32x768xf32, #tpu.memory_space<vmem>>, %arg9: memref<32x768xf32, #tpu.memory_space<vmem>>, %arg10: memref<32x768xf32, #tpu.memory_space<vmem>>, %arg11: memref<!tpu.dma_semaphore, #tpu.memory_space<semaphore_mem>>, %arg12: memref<!tpu.dma_semaphore, #tpu.memory_space<semaphore_mem>>, %arg13: memref<!tpu.dma_semaphore, #tpu.memory_space<semaphore_mem>>, %arg14: memref<!tpu.dma_semaphore, #tpu.memory_space<semaphore_mem>>, %arg15: memref<!tpu.dma_semaphore, #tpu.memory_space<semaphore_mem>>, %arg16: memref<!tpu.dma_semaphore, #tpu.memory_space<semaphore_mem>>) attributes {dimension_semantics = [#tpu.dimension_semantics<core_parallel>, #tpu.dimension_semantics<subcore_parallel>], iteration_bounds = array<i64: 2, 16>, scalar_prefetch = 0 : i64, scratch_operands = 11 : i64, tpu.core_type = #tpu.core_type<sc_vector_subcore>, window_params = [{transform_indices = #map}, {transform_indices = #map1}, {transform_indices = #map1}, {transform_indices = #map}]} {
    %mul3A = arith.constant 2 : i32
    %mul3A_0 = arith.muli %arg1, %mul3A : i32
    %add3A = arith.addi %mul3A_0, %arg0 : i32
    "tpu.region"() ({
      %run_scoped3A = tpu.sem_alloc : memref<!tpu.dma_semaphore, #tpu.memory_space<semaphore_mem>>
      %dma_start3A_268 = arith.constant 0 : i32
      %dma_start3A_269 = tpu.memref_slice %arg6[%dma_start3A_268] : memref<32xi32, #tpu.memory_space<vmem>> -> memref<16xi32, #tpu.memory_space<vmem>>
      %dma_start3A_270 = arith.constant 0 : i32
      %dma_start3A_271 = tpu.memref_slice %arg6[%dma_start3A_270] : memref<32xi32, #tpu.memory_space<vmem>> -> memref<16xi32, #tpu.memory_space<vmem>>
      tpu.enqueue_dma source(%arg3 : memref<16xi32, #tpu.memory_space<hbm>>) target(%dma_start3A_271 : memref<16xi32, #tpu.memory_space<vmem>>) target_semaphore(%run_scoped3A : memref<!tpu.dma_semaphore, #tpu.memory_space<semaphore_mem>>)
      %dma_wait3A_272 = arith.constant 0 : i32
      %dma_wait3A_273 = tpu.memref_slice %arg6[%dma_wait3A_272] : memref<32xi32, #tpu.memory_space<vmem>> -> memref<16xi32, #tpu.memory_space<vmem>>
      %dma_wait3A_274 = arith.constant 0 : i32
      %dma_wait3A_275 = tpu.memref_slice %arg6[%dma_wait3A_274] : memref<32xi32, #tpu.memory_space<vmem>> -> memref<16xi32, #tpu.memory_space<vmem>>
      tpu.wait_dma2 semaphore(%run_scoped3A : memref<!tpu.dma_semaphore, #tpu.memory_space<semaphore_mem>>) src(%arg3 : memref<16xi32, #tpu.memory_space<hbm>>) dst(%dma_wait3A_275 : memref<16xi32, #tpu.memory_space<vmem>>)
      tpu.yield
    }) : () -> ()
    %dma_start3A = arith.constant 0 : i32
    %dma_start3A_1 = arith.constant 0 : i32
    %dma_start3A_2 = tpu.memref_slice %arg7[%dma_start3A, %dma_start3A_1] : memref<32x768xf32, #tpu.memory_space<vmem>> -> memref<1x768xf32, #tpu.memory_space<vmem>>
    %dma_start3A_3 = tpu.memref_squeeze %dma_start3A_2 : memref<1x768xf32, #tpu.memory_space<vmem>> -> memref<768xf32, #tpu.memory_space<vmem>>
    %dma_start3A_4 = arith.constant 0 : i32
    %dma_start3A_5 = tpu.memref_slice %arg7[%dma_start3A, %dma_start3A_4] : memref<32x768xf32, #tpu.memory_space<vmem>> -> memref<1x768xf32, #tpu.memory_space<vmem>>
    %dma_start3A_6 = tpu.memref_squeeze %dma_start3A_5 : memref<1x768xf32, #tpu.memory_space<vmem>> -> memref<768xf32, #tpu.memory_space<vmem>>
    tpu.enqueue_dma source(%arg4 : memref<768xf32, #tpu.memory_space<hbm>>) target(%dma_start3A_6 : memref<768xf32, #tpu.memory_space<vmem>>) target_semaphore(%arg11 : memref<!tpu.dma_semaphore, #tpu.memory_space<semaphore_mem>>)
    %dma_start3A_7 = arith.constant 1 : i32
    %dma_start3A_8 = arith.constant 0 : i32
    %dma_start3A_9 = tpu.memref_slice %arg7[%dma_start3A_7, %dma_start3A_8] : memref<32x768xf32, #tpu.memory_space<vmem>> -> memref<1x768xf32, #tpu.memory_space<vmem>>
    %dma_start3A_10 = tpu.memref_squeeze %dma_start3A_9 : memref<1x768xf32, #tpu.memory_space<vmem>> -> memref<768xf32, #tpu.memory_space<vmem>>
    %dma_start3A_11 = arith.constant 0 : i32
    %dma_start3A_12 = tpu.memref_slice %arg7[%dma_start3A_7, %dma_start3A_11] : memref<32x768xf32, #tpu.memory_space<vmem>> -> memref<1x768xf32, #tpu.memory_space<vmem>>
    %dma_start3A_13 = tpu.memref_squeeze %dma_start3A_12 : memref<1x768xf32, #tpu.memory_space<vmem>> -> memref<768xf32, #tpu.memory_space<vmem>>
    tpu.enqueue_dma source(%arg4 : memref<768xf32, #tpu.memory_space<hbm>>) target(%dma_start3A_13 : memref<768xf32, #tpu.memory_space<vmem>>) target_semaphore(%arg11 : memref<!tpu.dma_semaphore, #tpu.memory_space<semaphore_mem>>)
    %dma_start3A_14 = arith.constant 2 : i32
    %dma_start3A_15 = arith.constant 0 : i32
    %dma_start3A_16 = tpu.memref_slice %arg7[%dma_start3A_14, %dma_start3A_15] : memref<32x768xf32, #tpu.memory_space<vmem>> -> memref<1x768xf32, #tpu.memory_space<vmem>>
    %dma_start3A_17 = tpu.memref_squeeze %dma_start3A_16 : memref<1x768xf32, #tpu.memory_space<vmem>> -> memref<768xf32, #tpu.memory_space<vmem>>
    %dma_start3A_18 = arith.constant 0 : i32
    %dma_start3A_19 = tpu.memref_slice %arg7[%dma_start3A_14, %dma_start3A_18] : memref<32x768xf32, #tpu.memory_space<vmem>> -> memref<1x768xf32, #tpu.memory_space<vmem>>
    %dma_start3A_20 = tpu.memref_squeeze %dma_start3A_19 : memref<1x768xf32, #tpu.memory_space<vmem>> -> memref<768xf32, #tpu.memory_space<vmem>>
    tpu.enqueue_dma source(%arg4 : memref<768xf32, #tpu.memory_space<hbm>>) target(%dma_start3A_20 : memref<768xf32, #tpu.memory_space<vmem>>) target_semaphore(%arg11 : memref<!tpu.dma_semaphore, #tpu.memory_space<semaphore_mem>>)
    %dma_start3A_21 = arith.constant 3 : i32
    %dma_start3A_22 = arith.constant 0 : i32
    %dma_start3A_23 = tpu.memref_slice %arg7[%dma_start3A_21, %dma_start3A_22] : memref<32x768xf32, #tpu.memory_space<vmem>> -> memref<1x768xf32, #tpu.memory_space<vmem>>
    %dma_start3A_24 = tpu.memref_squeeze %dma_start3A_23 : memref<1x768xf32, #tpu.memory_space<vmem>> -> memref<768xf32, #tpu.memory_space<vmem>>
    %dma_start3A_25 = arith.constant 0 : i32
    %dma_start3A_26 = tpu.memref_slice %arg7[%dma_start3A_21, %dma_start3A_25] : memref<32x768xf32, #tpu.memory_space<vmem>> -> memref<1x768xf32, #tpu.memory_space<vmem>>
    %dma_start3A_27 = tpu.memref_squeeze %dma_start3A_26 : memref<1x768xf32, #tpu.memory_space<vmem>> -> memref<768xf32, #tpu.memory_space<vmem>>
    tpu.enqueue_dma source(%arg4 : memref<768xf32, #tpu.memory_space<hbm>>) target(%dma_start3A_27 : memref<768xf32, #tpu.memory_space<vmem>>) target_semaphore(%arg11 : memref<!tpu.dma_semaphore, #tpu.memory_space<semaphore_mem>>)
    %dma_start3A_28 = arith.constant 4 : i32
    %dma_start3A_29 = arith.constant 0 : i32
    %dma_start3A_30 = tpu.memref_slice %arg7[%dma_start3A_28, %dma_start3A_29] : memref<32x768xf32, #tpu.memory_space<vmem>> -> memref<1x768xf32, #tpu.memory_space<vmem>>
    %dma_start3A_31 = tpu.memref_squeeze %dma_start3A_30 : memref<1x768xf32, #tpu.memory_space<vmem>> -> memref<768xf32, #tpu.memory_space<vmem>>
    %dma_start3A_32 = arith.constant 0 : i32
    %dma_start3A_33 = tpu.memref_slice %arg7[%dma_start3A_28, %dma_start3A_32] : memref<32x768xf32, #tpu.memory_space<vmem>> -> memref<1x768xf32, #tpu.memory_space<vmem>>
    %dma_start3A_34 = tpu.memref_squeeze %dma_start3A_33 : memref<1x768xf32, #tpu.memory_space<vmem>> -> memref<768xf32, #tpu.memory_space<vmem>>
    tpu.enqueue_dma source(%arg4 : memref<768xf32, #tpu.memory_space<hbm>>) target(%dma_start3A_34 : memref<768xf32, #tpu.memory_space<vmem>>) target_semaphore(%arg11 : memref<!tpu.dma_semaphore, #tpu.memory_space<semaphore_mem>>)
    %dma_start3A_35 = arith.constant 5 : i32
    %dma_start3A_36 = arith.constant 0 : i32
    %dma_start3A_37 = tpu.memref_slice %arg7[%dma_start3A_35, %dma_start3A_36] : memref<32x768xf32, #tpu.memory_space<vmem>> -> memref<1x768xf32, #tpu.memory_space<vmem>>
    %dma_start3A_38 = tpu.memref_squeeze %dma_start3A_37 : memref<1x768xf32, #tpu.memory_space<vmem>> -> memref<768xf32, #tpu.memory_space<vmem>>
    %dma_start3A_39 = arith.constant 0 : i32
    %dma_start3A_40 = tpu.memref_slice %arg7[%dma_start3A_35, %dma_start3A_39] : memref<32x768xf32, #tpu.memory_space<vmem>> -> memref<1x768xf32, #tpu.memory_space<vmem>>
    %dma_start3A_41 = tpu.memref_squeeze %dma_start3A_40 : memref<1x768xf32, #tpu.memory_space<vmem>> -> memref<768xf32, #tpu.memory_space<vmem>>
    tpu.enqueue_dma source(%arg4 : memref<768xf32, #tpu.memory_space<hbm>>) target(%dma_start3A_41 : memref<768xf32, #tpu.memory_space<vmem>>) target_semaphore(%arg11 : memref<!tpu.dma_semaphore, #tpu.memory_space<semaphore_mem>>)
    %dma_start3A_42 = arith.constant 6 : i32
    %dma_start3A_43 = arith.constant 0 : i32
    %dma_start3A_44 = tpu.memref_slice %arg7[%dma_start3A_42, %dma_start3A_43] : memref<32x768xf32, #tpu.memory_space<vmem>> -> memref<1x768xf32, #tpu.memory_space<vmem>>
    %dma_start3A_45 = tpu.memref_squeeze %dma_start3A_44 : memref<1x768xf32, #tpu.memory_space<vmem>> -> memref<768xf32, #tpu.memory_space<vmem>>
    %dma_start3A_46 = arith.constant 0 : i32
    %dma_start3A_47 = tpu.memref_slice %arg7[%dma_start3A_42, %dma_start3A_46] : memref<32x768xf32, #tpu.memory_space<vmem>> -> memref<1x768xf32, #tpu.memory_space<vmem>>
    %dma_start3A_48 = tpu.memref_squeeze %dma_start3A_47 : memref<1x768xf32, #tpu.memory_space<vmem>> -> memref<768xf32, #tpu.memory_space<vmem>>
    tpu.enqueue_dma source(%arg4 : memref<768xf32, #tpu.memory_space<hbm>>) target(%dma_start3A_48 : memref<768xf32, #tpu.memory_space<vmem>>) target_semaphore(%arg11 : memref<!tpu.dma_semaphore, #tpu.memory_space<semaphore_mem>>)
    %dma_start3A_49 = arith.constant 7 : i32
    %dma_start3A_50 = arith.constant 0 : i32
    %dma_start3A_51 = tpu.memref_slice %arg7[%dma_start3A_49, %dma_start3A_50] : memref<32x768xf32, #tpu.memory_space<vmem>> -> memref<1x768xf32, #tpu.memory_space<vmem>>
    %dma_start3A_52 = tpu.memref_squeeze %dma_start3A_51 : memref<1x768xf32, #tpu.memory_space<vmem>> -> memref<768xf32, #tpu.memory_space<vmem>>
    %dma_start3A_53 = arith.constant 0 : i32
    %dma_start3A_54 = tpu.memref_slice %arg7[%dma_start3A_49, %dma_start3A_53] : memref<32x768xf32, #tpu.memory_space<vmem>> -> memref<1x768xf32, #tpu.memory_space<vmem>>
    %dma_start3A_55 = tpu.memref_squeeze %dma_start3A_54 : memref<1x768xf32, #tpu.memory_space<vmem>> -> memref<768xf32, #tpu.memory_space<vmem>>
    tpu.enqueue_dma source(%arg4 : memref<768xf32, #tpu.memory_space<hbm>>) target(%dma_start3A_55 : memref<768xf32, #tpu.memory_space<vmem>>) target_semaphore(%arg11 : memref<!tpu.dma_semaphore, #tpu.memory_space<semaphore_mem>>)
    %dma_start3A_56 = arith.constant 8 : i32
    %dma_start3A_57 = arith.constant 0 : i32
    %dma_start3A_58 = tpu.memref_slice %arg7[%dma_start3A_56, %dma_start3A_57] : memref<32x768xf32, #tpu.memory_space<vmem>> -> memref<1x768xf32, #tpu.memory_space<vmem>>
    %dma_start3A_59 = tpu.memref_squeeze %dma_start3A_58 : memref<1x768xf32, #tpu.memory_space<vmem>> -> memref<768xf32, #tpu.memory_space<vmem>>
    %dma_start3A_60 = arith.constant 0 : i32
    %dma_start3A_61 = tpu.memref_slice %arg7[%dma_start3A_56, %dma_start3A_60] : memref<32x768xf32, #tpu.memory_space<vmem>> -> memref<1x768xf32, #tpu.memory_space<vmem>>
    %dma_start3A_62 = tpu.memref_squeeze %dma_start3A_61 : memref<1x768xf32, #tpu.memory_space<vmem>> -> memref<768xf32, #tpu.memory_space<vmem>>
    tpu.enqueue_dma source(%arg4 : memref<768xf32, #tpu.memory_space<hbm>>) target(%dma_start3A_62 : memref<768xf32, #tpu.memory_space<vmem>>) target_semaphore(%arg11 : memref<!tpu.dma_semaphore, #tpu.memory_space<semaphore_mem>>)
    %dma_start3A_63 = arith.constant 9 : i32
    %dma_start3A_64 = arith.constant 0 : i32
    %dma_start3A_65 = tpu.memref_slice %arg7[%dma_start3A_63, %dma_start3A_64] : memref<32x768xf32, #tpu.memory_space<vmem>> -> memref<1x768xf32, #tpu.memory_space<vmem>>
    %dma_start3A_66 = tpu.memref_squeeze %dma_start3A_65 : memref<1x768xf32, #tpu.memory_space<vmem>> -> memref<768xf32, #tpu.memory_space<vmem>>
    %dma_start3A_67 = arith.constant 0 : i32
    %dma_start3A_68 = tpu.memref_slice %arg7[%dma_start3A_63, %dma_start3A_67] : memref<32x768xf32, #tpu.memory_space<vmem>> -> memref<1x768xf32, #tpu.memory_space<vmem>>
    %dma_start3A_69 = tpu.memref_squeeze %dma_start3A_68 : memref<1x768xf32, #tpu.memory_space<vmem>> -> memref<768xf32, #tpu.memory_space<vmem>>
    tpu.enqueue_dma source(%arg4 : memref<768xf32, #tpu.memory_space<hbm>>) target(%dma_start3A_69 : memref<768xf32, #tpu.memory_space<vmem>>) target_semaphore(%arg11 : memref<!tpu.dma_semaphore, #tpu.memory_space<semaphore_mem>>)
    %dma_start3A_70 = arith.constant 10 : i32
    %dma_start3A_71 = arith.constant 0 : i32
    %dma_start3A_72 = tpu.memref_slice %arg7[%dma_start3A_70, %dma_start3A_71] : memref<32x768xf32, #tpu.memory_space<vmem>> -> memref<1x768xf32, #tpu.memory_space<vmem>>
    %dma_start3A_73 = tpu.memref_squeeze %dma_start3A_72 : memref<1x768xf32, #tpu.memory_space<vmem>> -> memref<768xf32, #tpu.memory_space<vmem>>
    %dma_start3A_74 = arith.constant 0 : i32
    %dma_start3A_75 = tpu.memref_slice %arg7[%dma_start3A_70, %dma_start3A_74] : memref<32x768xf32, #tpu.memory_space<vmem>> -> memref<1x768xf32, #tpu.memory_space<vmem>>
    %dma_start3A_76 = tpu.memref_squeeze %dma_start3A_75 : memref<1x768xf32, #tpu.memory_space<vmem>> -> memref<768xf32, #tpu.memory_space<vmem>>
    tpu.enqueue_dma source(%arg4 : memref<768xf32, #tpu.memory_space<hbm>>) target(%dma_start3A_76 : memref<768xf32, #tpu.memory_space<vmem>>) target_semaphore(%arg11 : memref<!tpu.dma_semaphore, #tpu.memory_space<semaphore_mem>>)
    %dma_start3A_77 = arith.constant 11 : i32
    %dma_start3A_78 = arith.constant 0 : i32
    %dma_start3A_79 = tpu.memref_slice %arg7[%dma_start3A_77, %dma_start3A_78] : memref<32x768xf32, #tpu.memory_space<vmem>> -> memref<1x768xf32, #tpu.memory_space<vmem>>
    %dma_start3A_80 = tpu.memref_squeeze %dma_start3A_79 : memref<1x768xf32, #tpu.memory_space<vmem>> -> memref<768xf32, #tpu.memory_space<vmem>>
    %dma_start3A_81 = arith.constant 0 : i32
    %dma_start3A_82 = tpu.memref_slice %arg7[%dma_start3A_77, %dma_start3A_81] : memref<32x768xf32, #tpu.memory_space<vmem>> -> memref<1x768xf32, #tpu.memory_space<vmem>>
    %dma_start3A_83 = tpu.memref_squeeze %dma_start3A_82 : memref<1x768xf32, #tpu.memory_space<vmem>> -> memref<768xf32, #tpu.memory_space<vmem>>
    tpu.enqueue_dma source(%arg4 : memref<768xf32, #tpu.memory_space<hbm>>) target(%dma_start3A_83 : memref<768xf32, #tpu.memory_space<vmem>>) target_semaphore(%arg11 : memref<!tpu.dma_semaphore, #tpu.memory_space<semaphore_mem>>)
    %dma_start3A_84 = arith.constant 12 : i32
    %dma_start3A_85 = arith.constant 0 : i32
    %dma_start3A_86 = tpu.memref_slice %arg7[%dma_start3A_84, %dma_start3A_85] : memref<32x768xf32, #tpu.memory_space<vmem>> -> memref<1x768xf32, #tpu.memory_space<vmem>>
    %dma_start3A_87 = tpu.memref_squeeze %dma_start3A_86 : memref<1x768xf32, #tpu.memory_space<vmem>> -> memref<768xf32, #tpu.memory_space<vmem>>
    %dma_start3A_88 = arith.constant 0 : i32
    %dma_start3A_89 = tpu.memref_slice %arg7[%dma_start3A_84, %dma_start3A_88] : memref<32x768xf32, #tpu.memory_space<vmem>> -> memref<1x768xf32, #tpu.memory_space<vmem>>
    %dma_start3A_90 = tpu.memref_squeeze %dma_start3A_89 : memref<1x768xf32, #tpu.memory_space<vmem>> -> memref<768xf32, #tpu.memory_space<vmem>>
    tpu.enqueue_dma source(%arg4 : memref<768xf32, #tpu.memory_space<hbm>>) target(%dma_start3A_90 : memref<768xf32, #tpu.memory_space<vmem>>) target_semaphore(%arg11 : memref<!tpu.dma_semaphore, #tpu.memory_space<semaphore_mem>>)
    %dma_start3A_91 = arith.constant 13 : i32
    %dma_start3A_92 = arith.constant 0 : i32
    %dma_start3A_93 = tpu.memref_slice %arg7[%dma_start3A_91, %dma_start3A_92] : memref<32x768xf32, #tpu.memory_space<vmem>> -> memref<1x768xf32, #tpu.memory_space<vmem>>
    %dma_start3A_94 = tpu.memref_squeeze %dma_start3A_93 : memref<1x768xf32, #tpu.memory_space<vmem>> -> memref<768xf32, #tpu.memory_space<vmem>>
    %dma_start3A_95 = arith.constant 0 : i32
    %dma_start3A_96 = tpu.memref_slice %arg7[%dma_start3A_91, %dma_start3A_95] : memref<32x768xf32, #tpu.memory_space<vmem>> -> memref<1x768xf32, #tpu.memory_space<vmem>>
    %dma_start3A_97 = tpu.memref_squeeze %dma_start3A_96 : memref<1x768xf32, #tpu.memory_space<vmem>> -> memref<768xf32, #tpu.memory_space<vmem>>
    tpu.enqueue_dma source(%arg4 : memref<768xf32, #tpu.memory_space<hbm>>) target(%dma_start3A_97 : memref<768xf32, #tpu.memory_space<vmem>>) target_semaphore(%arg11 : memref<!tpu.dma_semaphore, #tpu.memory_space<semaphore_mem>>)
    %dma_start3A_98 = arith.constant 14 : i32
    %dma_start3A_99 = arith.constant 0 : i32
    %dma_start3A_100 = tpu.memref_slice %arg7[%dma_start3A_98, %dma_start3A_99] : memref<32x768xf32, #tpu.memory_space<vmem>> -> memref<1x768xf32, #tpu.memory_space<vmem>>
    %dma_start3A_101 = tpu.memref_squeeze %dma_start3A_100 : memref<1x768xf32, #tpu.memory_space<vmem>> -> memref<768xf32, #tpu.memory_space<vmem>>
    %dma_start3A_102 = arith.constant 0 : i32
    %dma_start3A_103 = tpu.memref_slice %arg7[%dma_start3A_98, %dma_start3A_102] : memref<32x768xf32, #tpu.memory_space<vmem>> -> memref<1x768xf32, #tpu.memory_space<vmem>>
    %dma_start3A_104 = tpu.memref_squeeze %dma_start3A_103 : memref<1x768xf32, #tpu.memory_space<vmem>> -> memref<768xf32, #tpu.memory_space<vmem>>
    tpu.enqueue_dma source(%arg4 : memref<768xf32, #tpu.memory_space<hbm>>) target(%dma_start3A_104 : memref<768xf32, #tpu.memory_space<vmem>>) target_semaphore(%arg11 : memref<!tpu.dma_semaphore, #tpu.memory_space<semaphore_mem>>)
    %dma_start3A_105 = arith.constant 15 : i32
    %dma_start3A_106 = arith.constant 0 : i32
    %dma_start3A_107 = tpu.memref_slice %arg7[%dma_start3A_105, %dma_start3A_106] : memref<32x768xf32, #tpu.memory_space<vmem>> -> memref<1x768xf32, #tpu.memory_space<vmem>>
    %dma_start3A_108 = tpu.memref_squeeze %dma_start3A_107 : memref<1x768xf32, #tpu.memory_space<vmem>> -> memref<768xf32, #tpu.memory_space<vmem>>
    %dma_start3A_109 = arith.constant 0 : i32
    %dma_start3A_110 = tpu.memref_slice %arg7[%dma_start3A_105, %dma_start3A_109] : memref<32x768xf32, #tpu.memory_space<vmem>> -> memref<1x768xf32, #tpu.memory_space<vmem>>
    %dma_start3A_111 = tpu.memref_squeeze %dma_start3A_110 : memref<1x768xf32, #tpu.memory_space<vmem>> -> memref<768xf32, #tpu.memory_space<vmem>>
    tpu.enqueue_dma source(%arg4 : memref<768xf32, #tpu.memory_space<hbm>>) target(%dma_start3A_111 : memref<768xf32, #tpu.memory_space<vmem>>) target_semaphore(%arg11 : memref<!tpu.dma_semaphore, #tpu.memory_space<semaphore_mem>>)
    %dma_start3A_112 = arith.constant 16 : i32
    %dma_start3A_113 = arith.constant 0 : i32
    %dma_start3A_114 = tpu.memref_slice %arg7[%dma_start3A_112, %dma_start3A_113] : memref<32x768xf32, #tpu.memory_space<vmem>> -> memref<1x768xf32, #tpu.memory_space<vmem>>
    %dma_start3A_115 = tpu.memref_squeeze %dma_start3A_114 : memref<1x768xf32, #tpu.memory_space<vmem>> -> memref<768xf32, #tpu.memory_space<vmem>>
    %dma_start3A_116 = arith.constant 0 : i32
    %dma_start3A_117 = tpu.memref_slice %arg7[%dma_start3A_112, %dma_start3A_116] : memref<32x768xf32, #tpu.memory_space<vmem>> -> memref<1x768xf32, #tpu.memory_space<vmem>>
    %dma_start3A_118 = tpu.memref_squeeze %dma_start3A_117 : memref<1x768xf32, #tpu.memory_space<vmem>> -> memref<768xf32, #tpu.memory_space<vmem>>
    tpu.enqueue_dma source(%arg4 : memref<768xf32, #tpu.memory_space<hbm>>) target(%dma_start3A_118 : memref<768xf32, #tpu.memory_space<vmem>>) target_semaphore(%arg11 : memref<!tpu.dma_semaphore, #tpu.memory_space<semaphore_mem>>)
    %dma_start3A_119 = arith.constant 17 : i32
    %dma_start3A_120 = arith.constant 0 : i32
    %dma_start3A_121 = tpu.memref_slice %arg7[%dma_start3A_119, %dma_start3A_120] : memref<32x768xf32, #tpu.memory_space<vmem>> -> memref<1x768xf32, #tpu.memory_space<vmem>>
    %dma_start3A_122 = tpu.memref_squeeze %dma_start3A_121 : memref<1x768xf32, #tpu.memory_space<vmem>> -> memref<768xf32, #tpu.memory_space<vmem>>
    %dma_start3A_123 = arith.constant 0 : i32
    %dma_start3A_124 = tpu.memref_slice %arg7[%dma_start3A_119, %dma_start3A_123] : memref<32x768xf32, #tpu.memory_space<vmem>> -> memref<1x768xf32, #tpu.memory_space<vmem>>
    %dma_start3A_125 = tpu.memref_squeeze %dma_start3A_124 : memref<1x768xf32, #tpu.memory_space<vmem>> -> memref<768xf32, #tpu.memory_space<vmem>>
    tpu.enqueue_dma source(%arg4 : memref<768xf32, #tpu.memory_space<hbm>>) target(%dma_start3A_125 : memref<768xf32, #tpu.memory_space<vmem>>) target_semaphore(%arg11 : memref<!tpu.dma_semaphore, #tpu.memory_space<semaphore_mem>>)
    %dma_start3A_126 = arith.constant 18 : i32
    %dma_start3A_127 = arith.constant 0 : i32
    %dma_start3A_128 = tpu.memref_slice %arg7[%dma_start3A_126, %dma_start3A_127] : memref<32x768xf32, #tpu.memory_space<vmem>> -> memref<1x768xf32, #tpu.memory_space<vmem>>
    %dma_start3A_129 = tpu.memref_squeeze %dma_start3A_128 : memref<1x768xf32, #tpu.memory_space<vmem>> -> memref<768xf32, #tpu.memory_space<vmem>>
    %dma_start3A_130 = arith.constant 0 : i32
    %dma_start3A_131 = tpu.memref_slice %arg7[%dma_start3A_126, %dma_start3A_130] : memref<32x768xf32, #tpu.memory_space<vmem>> -> memref<1x768xf32, #tpu.memory_space<vmem>>
    %dma_start3A_132 = tpu.memref_squeeze %dma_start3A_131 : memref<1x768xf32, #tpu.memory_space<vmem>> -> memref<768xf32, #tpu.memory_space<vmem>>
    tpu.enqueue_dma source(%arg4 : memref<768xf32, #tpu.memory_space<hbm>>) target(%dma_start3A_132 : memref<768xf32, #tpu.memory_space<vmem>>) target_semaphore(%arg11 : memref<!tpu.dma_semaphore, #tpu.memory_space<semaphore_mem>>)
    %dma_start3A_133 = arith.constant 19 : i32
    %dma_start3A_134 = arith.constant 0 : i32
    %dma_start3A_135 = tpu.memref_slice %arg7[%dma_start3A_133, %dma_start3A_134] : memref<32x768xf32, #tpu.memory_space<vmem>> -> memref<1x768xf32, #tpu.memory_space<vmem>>
    %dma_start3A_136 = tpu.memref_squeeze %dma_start3A_135 : memref<1x768xf32, #tpu.memory_space<vmem>> -> memref<768xf32, #tpu.memory_space<vmem>>
    %dma_start3A_137 = arith.constant 0 : i32
    %dma_start3A_138 = tpu.memref_slice %arg7[%dma_start3A_133, %dma_start3A_137] : memref<32x768xf32, #tpu.memory_space<vmem>> -> memref<1x768xf32, #tpu.memory_space<vmem>>
    %dma_start3A_139 = tpu.memref_squeeze %dma_start3A_138 : memref<1x768xf32, #tpu.memory_space<vmem>> -> memref<768xf32, #tpu.memory_space<vmem>>
    tpu.enqueue_dma source(%arg4 : memref<768xf32, #tpu.memory_space<hbm>>) target(%dma_start3A_139 : memref<768xf32, #tpu.memory_space<vmem>>) target_semaphore(%arg11 : memref<!tpu.dma_semaphore, #tpu.memory_space<semaphore_mem>>)
    %dma_start3A_140 = arith.constant 20 : i32
    %dma_start3A_141 = arith.constant 0 : i32
    %dma_start3A_142 = tpu.memref_slice %arg7[%dma_start3A_140, %dma_start3A_141] : memref<32x768xf32, #tpu.memory_space<vmem>> -> memref<1x768xf32, #tpu.memory_space<vmem>>
    %dma_start3A_143 = tpu.memref_squeeze %dma_start3A_142 : memref<1x768xf32, #tpu.memory_space<vmem>> -> memref<768xf32, #tpu.memory_space<vmem>>
    %dma_start3A_144 = arith.constant 0 : i32
    %dma_start3A_145 = tpu.memref_slice %arg7[%dma_start3A_140, %dma_start3A_144] : memref<32x768xf32, #tpu.memory_space<vmem>> -> memref<1x768xf32, #tpu.memory_space<vmem>>
    %dma_start3A_146 = tpu.memref_squeeze %dma_start3A_145 : memref<1x768xf32, #tpu.memory_space<vmem>> -> memref<768xf32, #tpu.memory_space<vmem>>
    tpu.enqueue_dma source(%arg4 : memref<768xf32, #tpu.memory_space<hbm>>) target(%dma_start3A_146 : memref<768xf32, #tpu.memory_space<vmem>>) target_semaphore(%arg11 : memref<!tpu.dma_semaphore, #tpu.memory_space<semaphore_mem>>)
    %dma_start3A_147 = arith.constant 21 : i32
    %dma_start3A_148 = arith.constant 0 : i32
    %dma_start3A_149 = tpu.memref_slice %arg7[%dma_start3A_147, %dma_start3A_148] : memref<32x768xf32, #tpu.memory_space<vmem>> -> memref<1x768xf32, #tpu.memory_space<vmem>>
    %dma_start3A_150 = tpu.memref_squeeze %dma_start3A_149 : memref<1x768xf32, #tpu.memory_space<vmem>> -> memref<768xf32, #tpu.memory_space<vmem>>
    %dma_start3A_151 = arith.constant 0 : i32
    %dma_start3A_152 = tpu.memref_slice %arg7[%dma_start3A_147, %dma_start3A_151] : memref<32x768xf32, #tpu.memory_space<vmem>> -> memref<1x768xf32, #tpu.memory_space<vmem>>
    %dma_start3A_153 = tpu.memref_squeeze %dma_start3A_152 : memref<1x768xf32, #tpu.memory_space<vmem>> -> memref<768xf32, #tpu.memory_space<vmem>>
    tpu.enqueue_dma source(%arg4 : memref<768xf32, #tpu.memory_space<hbm>>) target(%dma_start3A_153 : memref<768xf32, #tpu.memory_space<vmem>>) target_semaphore(%arg11 : memref<!tpu.dma_semaphore, #tpu.memory_space<semaphore_mem>>)
    %dma_start3A_154 = arith.constant 22 : i32
    %dma_start3A_155 = arith.constant 0 : i32
    %dma_start3A_156 = tpu.memref_slice %arg7[%dma_start3A_154, %dma_start3A_155] : memref<32x768xf32, #tpu.memory_space<vmem>> -> memref<1x768xf32, #tpu.memory_space<vmem>>
    %dma_start3A_157 = tpu.memref_squeeze %dma_start3A_156 : memref<1x768xf32, #tpu.memory_space<vmem>> -> memref<768xf32, #tpu.memory_space<vmem>>
    %dma_start3A_158 = arith.constant 0 : i32
    %dma_start3A_159 = tpu.memref_slice %arg7[%dma_start3A_154, %dma_start3A_158] : memref<32x768xf32, #tpu.memory_space<vmem>> -> memref<1x768xf32, #tpu.memory_space<vmem>>
    %dma_start3A_160 = tpu.memref_squeeze %dma_start3A_159 : memref<1x768xf32, #tpu.memory_space<vmem>> -> memref<768xf32, #tpu.memory_space<vmem>>
    tpu.enqueue_dma source(%arg4 : memref<768xf32, #tpu.memory_space<hbm>>) target(%dma_start3A_160 : memref<768xf32, #tpu.memory_space<vmem>>) target_semaphore(%arg11 : memref<!tpu.dma_semaphore, #tpu.memory_space<semaphore_mem>>)
    %dma_start3A_161 = arith.constant 23 : i32
    %dma_start3A_162 = arith.constant 0 : i32
    %dma_start3A_163 = tpu.memref_slice %arg7[%dma_start3A_161, %dma_start3A_162] : memref<32x768xf32, #tpu.memory_space<vmem>> -> memref<1x768xf32, #tpu.memory_space<vmem>>
    %dma_start3A_164 = tpu.memref_squeeze %dma_start3A_163 : memref<1x768xf32, #tpu.memory_space<vmem>> -> memref<768xf32, #tpu.memory_space<vmem>>
    %dma_start3A_165 = arith.constant 0 : i32
    %dma_start3A_166 = tpu.memref_slice %arg7[%dma_start3A_161, %dma_start3A_165] : memref<32x768xf32, #tpu.memory_space<vmem>> -> memref<1x768xf32, #tpu.memory_space<vmem>>
    %dma_start3A_167 = tpu.memref_squeeze %dma_start3A_166 : memref<1x768xf32, #tpu.memory_space<vmem>> -> memref<768xf32, #tpu.memory_space<vmem>>
    tpu.enqueue_dma source(%arg4 : memref<768xf32, #tpu.memory_space<hbm>>) target(%dma_start3A_167 : memref<768xf32, #tpu.memory_space<vmem>>) target_semaphore(%arg11 : memref<!tpu.dma_semaphore, #tpu.memory_space<semaphore_mem>>)
    %dma_start3A_168 = arith.constant 24 : i32
    %dma_start3A_169 = arith.constant 0 : i32
    %dma_start3A_170 = tpu.memref_slice %arg7[%dma_start3A_168, %dma_start3A_169] : memref<32x768xf32, #tpu.memory_space<vmem>> -> memref<1x768xf32, #tpu.memory_space<vmem>>
    %dma_start3A_171 = tpu.memref_squeeze %dma_start3A_170 : memref<1x768xf32, #tpu.memory_space<vmem>> -> memref<768xf32, #tpu.memory_space<vmem>>
    %dma_start3A_172 = arith.constant 0 : i32
    %dma_start3A_173 = tpu.memref_slice %arg7[%dma_start3A_168, %dma_start3A_172] : memref<32x768xf32, #tpu.memory_space<vmem>> -> memref<1x768xf32, #tpu.memory_space<vmem>>
    %dma_start3A_174 = tpu.memref_squeeze %dma_start3A_173 : memref<1x768xf32, #tpu.memory_space<vmem>> -> memref<768xf32, #tpu.memory_space<vmem>>
    tpu.enqueue_dma source(%arg4 : memref<768xf32, #tpu.memory_space<hbm>>) target(%dma_start3A_174 : memref<768xf32, #tpu.memory_space<vmem>>) target_semaphore(%arg11 : memref<!tpu.dma_semaphore, #tpu.memory_space<semaphore_mem>>)
    %dma_start3A_175 = arith.constant 25 : i32
    %dma_start3A_176 = arith.constant 0 : i32
    %dma_start3A_177 = tpu.memref_slice %arg7[%dma_start3A_175, %dma_start3A_176] : memref<32x768xf32, #tpu.memory_space<vmem>> -> memref<1x768xf32, #tpu.memory_space<vmem>>
    %dma_start3A_178 = tpu.memref_squeeze %dma_start3A_177 : memref<1x768xf32, #tpu.memory_space<vmem>> -> memref<768xf32, #tpu.memory_space<vmem>>
    %dma_start3A_179 = arith.constant 0 : i32
    %dma_start3A_180 = tpu.memref_slice %arg7[%dma_start3A_175, %dma_start3A_179] : memref<32x768xf32, #tpu.memory_space<vmem>> -> memref<1x768xf32, #tpu.memory_space<vmem>>
    %dma_start3A_181 = tpu.memref_squeeze %dma_start3A_180 : memref<1x768xf32, #tpu.memory_space<vmem>> -> memref<768xf32, #tpu.memory_space<vmem>>
    tpu.enqueue_dma source(%arg4 : memref<768xf32, #tpu.memory_space<hbm>>) target(%dma_start3A_181 : memref<768xf32, #tpu.memory_space<vmem>>) target_semaphore(%arg11 : memref<!tpu.dma_semaphore, #tpu.memory_space<semaphore_mem>>)
    %dma_start3A_182 = arith.constant 26 : i32
    %dma_start3A_183 = arith.constant 0 : i32
    %dma_start3A_184 = tpu.memref_slice %arg7[%dma_start3A_182, %dma_start3A_183] : memref<32x768xf32, #tpu.memory_space<vmem>> -> memref<1x768xf32, #tpu.memory_space<vmem>>
    %dma_start3A_185 = tpu.memref_squeeze %dma_start3A_184 : memref<1x768xf32, #tpu.memory_space<vmem>> -> memref<768xf32, #tpu.memory_space<vmem>>
    %dma_start3A_186 = arith.constant 0 : i32
    %dma_start3A_187 = tpu.memref_slice %arg7[%dma_start3A_182, %dma_start3A_186] : memref<32x768xf32, #tpu.memory_space<vmem>> -> memref<1x768xf32, #tpu.memory_space<vmem>>
    %dma_start3A_188 = tpu.memref_squeeze %dma_start3A_187 : memref<1x768xf32, #tpu.memory_space<vmem>> -> memref<768xf32, #tpu.memory_space<vmem>>
    tpu.enqueue_dma source(%arg4 : memref<768xf32, #tpu.memory_space<hbm>>) target(%dma_start3A_188 : memref<768xf32, #tpu.memory_space<vmem>>) target_semaphore(%arg11 : memref<!tpu.dma_semaphore, #tpu.memory_space<semaphore_mem>>)
    %dma_start3A_189 = arith.constant 27 : i32
    %dma_start3A_190 = arith.constant 0 : i32
    %dma_start3A_191 = tpu.memref_slice %arg7[%dma_start3A_189, %dma_start3A_190] : memref<32x768xf32, #tpu.memory_space<vmem>> -> memref<1x768xf32, #tpu.memory_space<vmem>>
    %dma_start3A_192 = tpu.memref_squeeze %dma_start3A_191 : memref<1x768xf32, #tpu.memory_space<vmem>> -> memref<768xf32, #tpu.memory_space<vmem>>
    %dma_start3A_193 = arith.constant 0 : i32
    %dma_start3A_194 = tpu.memref_slice %arg7[%dma_start3A_189, %dma_start3A_193] : memref<32x768xf32, #tpu.memory_space<vmem>> -> memref<1x768xf32, #tpu.memory_space<vmem>>
    %dma_start3A_195 = tpu.memref_squeeze %dma_start3A_194 : memref<1x768xf32, #tpu.memory_space<vmem>> -> memref<768xf32, #tpu.memory_space<vmem>>
    tpu.enqueue_dma source(%arg4 : memref<768xf32, #tpu.memory_space<hbm>>) target(%dma_start3A_195 : memref<768xf32, #tpu.memory_space<vmem>>) target_semaphore(%arg11 : memref<!tpu.dma_semaphore, #tpu.memory_space<semaphore_mem>>)
    %dma_start3A_196 = arith.constant 28 : i32
    %dma_start3A_197 = arith.constant 0 : i32
    %dma_start3A_198 = tpu.memref_slice %arg7[%dma_start3A_196, %dma_start3A_197] : memref<32x768xf32, #tpu.memory_space<vmem>> -> memref<1x768xf32, #tpu.memory_space<vmem>>
    %dma_start3A_199 = tpu.memref_squeeze %dma_start3A_198 : memref<1x768xf32, #tpu.memory_space<vmem>> -> memref<768xf32, #tpu.memory_space<vmem>>
    %dma_start3A_200 = arith.constant 0 : i32
    %dma_start3A_201 = tpu.memref_slice %arg7[%dma_start3A_196, %dma_start3A_200] : memref<32x768xf32, #tpu.memory_space<vmem>> -> memref<1x768xf32, #tpu.memory_space<vmem>>
    %dma_start3A_202 = tpu.memref_squeeze %dma_start3A_201 : memref<1x768xf32, #tpu.memory_space<vmem>> -> memref<768xf32, #tpu.memory_space<vmem>>
    tpu.enqueue_dma source(%arg4 : memref<768xf32, #tpu.memory_space<hbm>>) target(%dma_start3A_202 : memref<768xf32, #tpu.memory_space<vmem>>) target_semaphore(%arg11 : memref<!tpu.dma_semaphore, #tpu.memory_space<semaphore_mem>>)
    %dma_start3A_203 = arith.constant 29 : i32
    %dma_start3A_204 = arith.constant 0 : i32
    %dma_start3A_205 = tpu.memref_slice %arg7[%dma_start3A_203, %dma_start3A_204] : memref<32x768xf32, #tpu.memory_space<vmem>> -> memref<1x768xf32, #tpu.memory_space<vmem>>
    %dma_start3A_206 = tpu.memref_squeeze %dma_start3A_205 : memref<1x768xf32, #tpu.memory_space<vmem>> -> memref<768xf32, #tpu.memory_space<vmem>>
    %dma_start3A_207 = arith.constant 0 : i32
    %dma_start3A_208 = tpu.memref_slice %arg7[%dma_start3A_203, %dma_start3A_207] : memref<32x768xf32, #tpu.memory_space<vmem>> -> memref<1x768xf32, #tpu.memory_space<vmem>>
    %dma_start3A_209 = tpu.memref_squeeze %dma_start3A_208 : memref<1x768xf32, #tpu.memory_space<vmem>> -> memref<768xf32, #tpu.memory_space<vmem>>
    tpu.enqueue_dma source(%arg4 : memref<768xf32, #tpu.memory_space<hbm>>) target(%dma_start3A_209 : memref<768xf32, #tpu.memory_space<vmem>>) target_semaphore(%arg11 : memref<!tpu.dma_semaphore, #tpu.memory_space<semaphore_mem>>)
    %dma_start3A_210 = arith.constant 30 : i32
    %dma_start3A_211 = arith.constant 0 : i32
    %dma_start3A_212 = tpu.memref_slice %arg7[%dma_start3A_210, %dma_start3A_211] : memref<32x768xf32, #tpu.memory_space<vmem>> -> memref<1x768xf32, #tpu.memory_space<vmem>>
    %dma_start3A_213 = tpu.memref_squeeze %dma_start3A_212 : memref<1x768xf32, #tpu.memory_space<vmem>> -> memref<768xf32, #tpu.memory_space<vmem>>
    %dma_start3A_214 = arith.constant 0 : i32
    %dma_start3A_215 = tpu.memref_slice %arg7[%dma_start3A_210, %dma_start3A_214] : memref<32x768xf32, #tpu.memory_space<vmem>> -> memref<1x768xf32, #tpu.memory_space<vmem>>
    %dma_start3A_216 = tpu.memref_squeeze %dma_start3A_215 : memref<1x768xf32, #tpu.memory_space<vmem>> -> memref<768xf32, #tpu.memory_space<vmem>>
    tpu.enqueue_dma source(%arg4 : memref<768xf32, #tpu.memory_space<hbm>>) target(%dma_start3A_216 : memref<768xf32, #tpu.memory_space<vmem>>) target_semaphore(%arg11 : memref<!tpu.dma_semaphore, #tpu.memory_space<semaphore_mem>>)
    %dma_start3A_217 = arith.constant 31 : i32
    %dma_start3A_218 = arith.constant 0 : i32
    %dma_start3A_219 = tpu.memref_slice %arg7[%dma_start3A_217, %dma_start3A_218] : memref<32x768xf32, #tpu.memory_space<vmem>> -> memref<1x768xf32, #tpu.memory_space<vmem>>
    %dma_start3A_220 = tpu.memref_squeeze %dma_start3A_219 : memref<1x768xf32, #tpu.memory_space<vmem>> -> memref<768xf32, #tpu.memory_space<vmem>>
    %dma_start3A_221 = arith.constant 0 : i32
    %dma_start3A_222 = tpu.memref_slice %arg7[%dma_start3A_217, %dma_start3A_221] : memref<32x768xf32, #tpu.memory_space<vmem>> -> memref<1x768xf32, #tpu.memory_space<vmem>>
    %dma_start3A_223 = tpu.memref_squeeze %dma_start3A_222 : memref<1x768xf32, #tpu.memory_space<vmem>> -> memref<768xf32, #tpu.memory_space<vmem>>
    tpu.enqueue_dma source(%arg4 : memref<768xf32, #tpu.memory_space<hbm>>) target(%dma_start3A_223 : memref<768xf32, #tpu.memory_space<vmem>>) target_semaphore(%arg11 : memref<!tpu.dma_semaphore, #tpu.memory_space<semaphore_mem>>)
    %dma_wait3A = arith.constant 0 : i32
    %dma_wait3A_224 = arith.constant 0 : i32
    %dma_wait3A_225 = arith.constant 0 : i32
    %dma_wait3A_226 = arith.constant 0 : i32
    %dma_wait3A_227 = tpu.memref_slice %arg2[%dma_wait3A, %dma_wait3A_224, %dma_wait3A_225, %dma_wait3A_226] : memref<2x16x1024x768xf32, #tpu.memory_space<hbm>> -> memref<1x1x32x768xf32, #tpu.memory_space<hbm>>
    %dma_wait3A_228 = tpu.memref_squeeze %dma_wait3A_227 : memref<1x1x32x768xf32, #tpu.memory_space<hbm>> -> memref<32x768xf32, #tpu.memory_space<hbm>>
    %dma_wait3A_229 = arith.constant 0 : i32
    %dma_wait3A_230 = arith.constant 0 : i32
    %dma_wait3A_231 = tpu.memref_slice %arg2[%dma_wait3A, %dma_wait3A_224, %dma_wait3A_229, %dma_wait3A_230] : memref<2x16x1024x768xf32, #tpu.memory_space<hbm>> -> memref<1x1x32x768xf32, #tpu.memory_space<hbm>>
    %dma_wait3A_232 = tpu.memref_squeeze %dma_wait3A_231 : memref<1x1x32x768xf32, #tpu.memory_space<hbm>> -> memref<32x768xf32, #tpu.memory_space<hbm>>
    tpu.wait_dma2 semaphore(%arg11 : memref<!tpu.dma_semaphore, #tpu.memory_space<semaphore_mem>>) src(%dma_wait3A_232 : memref<32x768xf32, #tpu.memory_space<hbm>>) dst(%arg7 : memref<32x768xf32, #tpu.memory_space<vmem>>)
    %scan3A = arith.constant 0 : i32
    %scan3A_233 = arith.constant 0 : i32
    %scan3A_234 = arith.constant 0 : i32
    %scan3A_235 = arith.constant 0 : i32
    %scan3A_236 = arith.constant 0 : i32
    %scan3A_237 = arith.constant 0 : i32
    %scan3A_238 = arith.constant 32 : i32
    %scan3A_239 = arith.addi %scan3A_237, %scan3A_238 : i32
    %scan3A_240 = arith.constant 1 : i32
    %scan3A_241:5 = scf.for %scan3A_268 = %scan3A_237 to %scan3A_239 step %scan3A_240 iter_args(%scan3A_269 = %scan3A, %scan3A_270 = %scan3A_233, %scan3A_271 = %scan3A_234, %scan3A_272 = %scan3A_235, %scan3A_273 = %scan3A_236) -> (i32, i32, i32, i32, i32)  : i32 {
      %jit3A = arith.constant 16 : i32
      %div3A = arith.divsi %scan3A_268, %jit3A : i32
      %sign3A = arith.constant 0 : i32
      %sign3A_274 = arith.cmpi sgt, %scan3A_268, %sign3A : i32
      %sign3A_275 = arith.extui %sign3A_274 : i1 to i32
      %sign3A_276 = arith.constant 0 : i32
      %sign3A_277 = arith.cmpi slt, %scan3A_268, %sign3A_276 : i32
      %sign3A_278 = arith.extui %sign3A_277 : i1 to i32
      %sign3A_279 = arith.subi %sign3A_275, %sign3A_278 : i32
      %sign3A_280 = arith.constant 0 : i32
      %sign3A_281 = arith.cmpi sgt, %jit3A, %sign3A_280 : i32
      %sign3A_282 = arith.extui %sign3A_281 : i1 to i32
      %sign3A_283 = arith.constant 0 : i32
      %sign3A_284 = arith.cmpi slt, %jit3A, %sign3A_283 : i32
      %sign3A_285 = arith.extui %sign3A_284 : i1 to i32
      %sign3A_286 = arith.subi %sign3A_282, %sign3A_285 : i32
      %ne3A = arith.cmpi ne, %sign3A_279, %sign3A_286 : i32
      %rem3A = arith.remsi %scan3A_268, %jit3A : i32
      %ne3A_287 = arith.constant 0 : i32
      %ne3A_288 = arith.cmpi ne, %rem3A, %ne3A_287 : i32
      %and3A = arith.andi %ne3A, %ne3A_288 : i1
      %sub3A = arith.constant 1 : i32
      %sub3A_289 = arith.subi %div3A, %sub3A : i32
      %select_n3A = arith.select %and3A, %sub3A_289, %div3A : i32
      %jit3A_290 = arith.constant 16 : i32
      %eq3A = arith.constant 0 : i32
      %eq3A_291 = arith.cmpi eq, %jit3A_290, %eq3A : i32
      %jit3A_292 = arith.constant 1 : i32
      %select_n3A_293 = arith.select %eq3A_291, %jit3A_292, %jit3A_290 : i32
      %rem3A_294 = arith.remsi %scan3A_268, %select_n3A_293 : i32
      %ne3A_295 = arith.constant 0 : i32
      %ne3A_296 = arith.cmpi ne, %rem3A_294, %ne3A_295 : i32
      %lt3A = arith.constant 0 : i32
      %lt3A_297 = arith.cmpi slt, %rem3A_294, %lt3A : i32
      %lt3A_298 = arith.constant 0 : i32
      %lt3A_299 = arith.cmpi slt, %select_n3A_293, %lt3A_298 : i32
      %ne3A_300 = arith.xori %lt3A_297, %lt3A_299 : i1
      %and3A_301 = arith.andi %ne3A_300, %ne3A_296 : i1
      %add3A_302 = arith.addi %rem3A_294, %select_n3A_293 : i32
      %select_n3A_303 = arith.select %and3A_301, %add3A_302, %rem3A_294 : i32
      %get3A = arith.index_cast %select_n3A_303 : i32 to index
      %get3A_304 = tpu.vector_load %arg6[%get3A] {strides = array<i32>} : memref<32xi32, #tpu.memory_space<vmem>>, vector<16xi32>,
      %get3A_305 = vector.shape_cast %get3A_304 : vector<16xi32> to vector<16xi32>
      %slice3A = vector.extract_strided_slice %get3A_305 {offsets = [0], sizes = [1], strides = [1]} : vector<16xi32> to vector<1xi32>
      %squeeze3A = vector.extract %slice3A[0] : i32 from vector<1xi32>
      %add3A_306 = arith.addi %add3A, %scan3A_268 : i32
      %rem3A_307 = arith.constant 32 : i32
      %rem3A_308 = arith.remsi %add3A_306, %rem3A_307 : i32
      %mul3A_309 = arith.constant 32 : i32
      %mul3A_310 = arith.muli %rem3A_308, %mul3A_309 : i32
      %add3A_311 = arith.constant 32 : i32
      %add3A_312 = arith.addi %mul3A_310, %add3A_311 : i32
      %ge3A_313 = arith.cmpi sge, %squeeze3A, %add3A_312 : i32
      %le3A = arith.cmpi sle, %squeeze3A, %mul3A_310 : i32
      %gt3A_314 = arith.cmpi sgt, %squeeze3A, %mul3A_310 : i32
      %lt3A_315 = arith.cmpi slt, %squeeze3A, %add3A_312 : i32
      %and3A_316 = arith.andi %gt3A_314, %lt3A_315 : i1
      %convert_element_type3A_317 = arith.extui %le3A : i1 to i32
      %cond3A_318 = arith.constant 0 : i32
      %cond3A_319 = arith.cmpi ne, %convert_element_type3A_317, %cond3A_318 : i32
      scf.if %cond3A_319 {
        %dma_start3A_354 = arith.constant 0 : i32
        %dma_start3A_355 = tpu.memref_slice %arg5[%select_n3A, %select_n3A_303, %mul3A_310, %dma_start3A_354] : memref<2x16x1024x768xf32, #tpu.memory_space<hbm>> -> memref<1x1x32x768xf32, #tpu.memory_space<hbm>>
        %dma_start3A_356 = tpu.memref_squeeze %dma_start3A_355 : memref<1x1x32x768xf32, #tpu.memory_space<hbm>> -> memref<32x768xf32, #tpu.memory_space<hbm>>
        %dma_start3A_357 = arith.constant 0 : i32
        %dma_start3A_358 = tpu.memref_slice %arg5[%select_n3A, %select_n3A_303, %mul3A_310, %dma_start3A_357] : memref<2x16x1024x768xf32, #tpu.memory_space<hbm>> -> memref<1x1x32x768xf32, #tpu.memory_space<hbm>>
        %dma_start3A_359 = tpu.memref_squeeze %dma_start3A_358 : memref<1x1x32x768xf32, #tpu.memory_space<hbm>> -> memref<32x768xf32, #tpu.memory_space<hbm>>
        tpu.enqueue_dma source(%arg7 : memref<32x768xf32, #tpu.memory_space<vmem>>) target(%dma_start3A_359 : memref<32x768xf32, #tpu.memory_space<hbm>>) target_semaphore(%arg11 : memref<!tpu.dma_semaphore, #tpu.memory_space<semaphore_mem>>)
      } else {
      }
      %multiple_of3A_320 = tpu.assume_multiple %scan3A_273, 32 : i32
      %rem3A_321 = arith.constant 2 : i32
      %rem3A_322 = arith.remsi %scan3A_271, %rem3A_321 : i32
      %eq3A_323 = arith.constant 0 : i32
      %eq3A_324 = arith.cmpi eq, %rem3A_322, %eq3A_323 : i32
      %and3A_325 = arith.andi %ge3A_313, %eq3A_324 : i1
      %convert_element_type3A_326 = arith.extui %and3A_325 : i1 to i32
      %cond3A_327 = arith.constant 0 : i32
      %cond3A_328 = arith.cmpi ne, %convert_element_type3A_326, %cond3A_327 : i32
      scf.if %cond3A_328 {
        %ge3A_354 = arith.constant 2 : i32
        %ge3A_355 = arith.cmpi sge, %scan3A_271, %ge3A_354 : i32
        %convert_element_type3A_356 = arith.extui %ge3A_355 : i1 to i32
        %cond3A_357 = arith.constant 0 : i32
        %cond3A_358 = arith.cmpi ne, %convert_element_type3A_356, %cond3A_357 : i32
        scf.if %cond3A_358 {
          %dma_wait3A_370 = arith.constant 0 : i32
          %dma_wait3A_371 = arith.constant 0 : i32
          %dma_wait3A_372 = arith.constant 0 : i32
          %dma_wait3A_373 = arith.constant 0 : i32
          %dma_wait3A_374 = tpu.memref_slice %arg5[%dma_wait3A_370, %dma_wait3A_371, %dma_wait3A_372, %dma_wait3A_373] : memref<2x16x1024x768xf32, #tpu.memory_space<hbm>> -> memref<1x1x32x768xf32, #tpu.memory_space<hbm>>
          %dma_wait3A_375 = tpu.memref_squeeze %dma_wait3A_374 : memref<1x1x32x768xf32, #tpu.memory_space<hbm>> -> memref<32x768xf32, #tpu.memory_space<hbm>>
          %dma_wait3A_376 = arith.constant 0 : i32
          %dma_wait3A_377 = arith.constant 0 : i32
          %dma_wait3A_378 = tpu.memref_slice %arg5[%dma_wait3A_370, %dma_wait3A_371, %dma_wait3A_376, %dma_wait3A_377] : memref<2x16x1024x768xf32, #tpu.memory_space<hbm>> -> memref<1x1x32x768xf32, #tpu.memory_space<hbm>>
          %dma_wait3A_379 = tpu.memref_squeeze %dma_wait3A_378 : memref<1x1x32x768xf32, #tpu.memory_space<hbm>> -> memref<32x768xf32, #tpu.memory_space<hbm>>
          tpu.wait_dma2 semaphore(%arg13 : memref<!tpu.dma_semaphore, #tpu.memory_space<semaphore_mem>>) src(%arg8 : memref<32x768xf32, #tpu.memory_space<vmem>>) dst(%dma_wait3A_379 : memref<32x768xf32, #tpu.memory_space<hbm>>)
        } else {
        }
        %dma_start3A_359 = arith.constant 0 : i32
        %dma_start3A_360 = tpu.memref_slice %arg2[%select_n3A, %select_n3A_303, %mul3A_310, %dma_start3A_359] : memref<2x16x1024x768xf32, #tpu.memory_space<hbm>> -> memref<1x1x32x768xf32, #tpu.memory_space<hbm>>
        %dma_start3A_361 = tpu.memref_squeeze %dma_start3A_360 : memref<1x1x32x768xf32, #tpu.memory_space<hbm>> -> memref<32x768xf32, #tpu.memory_space<hbm>>
        %dma_start3A_362 = arith.constant 0 : i32
        %dma_start3A_363 = tpu.memref_slice %arg2[%select_n3A, %select_n3A_303, %mul3A_310, %dma_start3A_362] : memref<2x16x1024x768xf32, #tpu.memory_space<hbm>> -> memref<1x1x32x768xf32, #tpu.memory_space<hbm>>
        %dma_start3A_364 = tpu.memref_squeeze %dma_start3A_363 : memref<1x1x32x768xf32, #tpu.memory_space<hbm>> -> memref<32x768xf32, #tpu.memory_space<hbm>>
        tpu.enqueue_dma source(%dma_start3A_364 : memref<32x768xf32, #tpu.memory_space<hbm>>) target(%arg8 : memref<32x768xf32, #tpu.memory_space<vmem>>) target_semaphore(%arg15 : memref<!tpu.dma_semaphore, #tpu.memory_space<semaphore_mem>>)
        %ge3A_365 = arith.constant 1 : i32
        %ge3A_366 = arith.cmpi sge, %scan3A_271, %ge3A_365 : i32
        %convert_element_type3A_367 = arith.extui %ge3A_366 : i1 to i32
        %cond3A_368 = arith.constant 0 : i32
        %cond3A_369 = arith.cmpi ne, %convert_element_type3A_367, %cond3A_368 : i32
        scf.if %cond3A_369 {
          %dma_wait3A_370 = arith.constant 0 : i32
          %dma_wait3A_371 = arith.constant 0 : i32
          %dma_wait3A_372 = arith.constant 0 : i32
          %dma_wait3A_373 = arith.constant 0 : i32
          %dma_wait3A_374 = tpu.memref_slice %arg2[%dma_wait3A_370, %dma_wait3A_371, %dma_wait3A_372, %dma_wait3A_373] : memref<2x16x1024x768xf32, #tpu.memory_space<hbm>> -> memref<1x1x32x768xf32, #tpu.memory_space<hbm>>
          %dma_wait3A_375 = tpu.memref_squeeze %dma_wait3A_374 : memref<1x1x32x768xf32, #tpu.memory_space<hbm>> -> memref<32x768xf32, #tpu.memory_space<hbm>>
          %dma_wait3A_376 = arith.constant 0 : i32
          %dma_wait3A_377 = arith.constant 0 : i32
          %dma_wait3A_378 = tpu.memref_slice %arg2[%dma_wait3A_370, %dma_wait3A_371, %dma_wait3A_376, %dma_wait3A_377] : memref<2x16x1024x768xf32, #tpu.memory_space<hbm>> -> memref<1x1x32x768xf32, #tpu.memory_space<hbm>>
          %dma_wait3A_379 = tpu.memref_squeeze %dma_wait3A_378 : memref<1x1x32x768xf32, #tpu.memory_space<hbm>> -> memref<32x768xf32, #tpu.memory_space<hbm>>
          tpu.wait_dma2 semaphore(%arg16 : memref<!tpu.dma_semaphore, #tpu.memory_space<semaphore_mem>>) src(%dma_wait3A_379 : memref<32x768xf32, #tpu.memory_space<hbm>>) dst(%arg9 : memref<32x768xf32, #tpu.memory_space<vmem>>)
          %jit3A_380 = arith.constant 16 : i32
          %div3A_381 = arith.divsi %scan3A_272, %jit3A_380 : i32
          %sign3A_382 = arith.constant 0 : i32
          %sign3A_383 = arith.cmpi sgt, %scan3A_272, %sign3A_382 : i32
          %sign3A_384 = arith.extui %sign3A_383 : i1 to i32
          %sign3A_385 = arith.constant 0 : i32
          %sign3A_386 = arith.cmpi slt, %scan3A_272, %sign3A_385 : i32
          %sign3A_387 = arith.extui %sign3A_386 : i1 to i32
          %sign3A_388 = arith.subi %sign3A_384, %sign3A_387 : i32
          %sign3A_389 = arith.constant 0 : i32
          %sign3A_390 = arith.cmpi sgt, %jit3A_380, %sign3A_389 : i32
          %sign3A_391 = arith.extui %sign3A_390 : i1 to i32
          %sign3A_392 = arith.constant 0 : i32
          %sign3A_393 = arith.cmpi slt, %jit3A_380, %sign3A_392 : i32
          %sign3A_394 = arith.extui %sign3A_393 : i1 to i32
          %sign3A_395 = arith.subi %sign3A_391, %sign3A_394 : i32
          %ne3A_396 = arith.cmpi ne, %sign3A_388, %sign3A_395 : i32
          %rem3A_397 = arith.remsi %scan3A_272, %jit3A_380 : i32
          %ne3A_398 = arith.constant 0 : i32
          %ne3A_399 = arith.cmpi ne, %rem3A_397, %ne3A_398 : i32
          %and3A_400 = arith.andi %ne3A_396, %ne3A_399 : i1
          %sub3A_401 = arith.constant 1 : i32
          %sub3A_402 = arith.subi %div3A_381, %sub3A_401 : i32
          %select_n3A_403 = arith.select %and3A_400, %sub3A_402, %div3A_381 : i32
          %jit3A_404 = arith.constant 16 : i32
          %eq3A_405 = arith.constant 0 : i32
          %eq3A_406 = arith.cmpi eq, %jit3A_404, %eq3A_405 : i32
          %jit3A_407 = arith.constant 1 : i32
          %select_n3A_408 = arith.select %eq3A_406, %jit3A_407, %jit3A_404 : i32
          %rem3A_409 = arith.remsi %scan3A_272, %select_n3A_408 : i32
          %ne3A_410 = arith.constant 0 : i32
          %ne3A_411 = arith.cmpi ne, %rem3A_409, %ne3A_410 : i32
          %lt3A_412 = arith.constant 0 : i32
          %lt3A_413 = arith.cmpi slt, %rem3A_409, %lt3A_412 : i32
          %lt3A_414 = arith.constant 0 : i32
          %lt3A_415 = arith.cmpi slt, %select_n3A_408, %lt3A_414 : i32
          %ne3A_416 = arith.xori %lt3A_413, %lt3A_415 : i1
          %and3A_417 = arith.andi %ne3A_416, %ne3A_411 : i1
          %add3A_418 = arith.addi %rem3A_409, %select_n3A_408 : i32
          %select_n3A_419 = arith.select %and3A_417, %add3A_418, %rem3A_409 : i32
          %dma_start3A_420 = arith.constant 0 : i32
          %dma_start3A_421 = tpu.memref_slice %arg5[%select_n3A_403, %select_n3A_419, %multiple_of3A_320, %dma_start3A_420] : memref<2x16x1024x768xf32, #tpu.memory_space<hbm>> -> memref<1x1x32x768xf32, #tpu.memory_space<hbm>>
          %dma_start3A_422 = tpu.memref_squeeze %dma_start3A_421 : memref<1x1x32x768xf32, #tpu.memory_space<hbm>> -> memref<32x768xf32, #tpu.memory_space<hbm>>
          %dma_start3A_423 = arith.constant 0 : i32
          %dma_start3A_424 = tpu.memref_slice %arg5[%select_n3A_403, %select_n3A_419, %multiple_of3A_320, %dma_start3A_423] : memref<2x16x1024x768xf32, #tpu.memory_space<hbm>> -> memref<1x1x32x768xf32, #tpu.memory_space<hbm>>
          %dma_start3A_425 = tpu.memref_squeeze %dma_start3A_424 : memref<1x1x32x768xf32, #tpu.memory_space<hbm>> -> memref<32x768xf32, #tpu.memory_space<hbm>>
          tpu.enqueue_dma source(%arg9 : memref<32x768xf32, #tpu.memory_space<vmem>>) target(%dma_start3A_425 : memref<32x768xf32, #tpu.memory_space<hbm>>) target_semaphore(%arg14 : memref<!tpu.dma_semaphore, #tpu.memory_space<semaphore_mem>>)
        } else {
        }
      } else {
      }
      %rem3A_329 = arith.constant 2 : i32
      %rem3A_330 = arith.remsi %scan3A_271, %rem3A_329 : i32
      %eq3A_331 = arith.constant 1 : i32
      %eq3A_332 = arith.cmpi eq, %rem3A_330, %eq3A_331 : i32
      %and3A_333 = arith.andi %ge3A_313, %eq3A_332 : i1
      %convert_element_type3A_334 = arith.extui %and3A_333 : i1 to i32
      %cond3A_335 = arith.constant 0 : i32
      %cond3A_336 = arith.cmpi ne, %convert_element_type3A_334, %cond3A_335 : i32
      scf.if %cond3A_336 {
        %ge3A_354 = arith.constant 2 : i32
        %ge3A_355 = arith.cmpi sge, %scan3A_271, %ge3A_354 : i32
        %convert_element_type3A_356 = arith.extui %ge3A_355 : i1 to i32
        %cond3A_357 = arith.constant 0 : i32
        %cond3A_358 = arith.cmpi ne, %convert_element_type3A_356, %cond3A_357 : i32
        scf.if %cond3A_358 {
          %dma_wait3A_421 = arith.constant 0 : i32
          %dma_wait3A_422 = arith.constant 0 : i32
          %dma_wait3A_423 = arith.constant 0 : i32
          %dma_wait3A_424 = arith.constant 0 : i32
          %dma_wait3A_425 = tpu.memref_slice %arg5[%dma_wait3A_421, %dma_wait3A_422, %dma_wait3A_423, %dma_wait3A_424] : memref<2x16x1024x768xf32, #tpu.memory_space<hbm>> -> memref<1x1x32x768xf32, #tpu.memory_space<hbm>>
          %dma_wait3A_426 = tpu.memref_squeeze %dma_wait3A_425 : memref<1x1x32x768xf32, #tpu.memory_space<hbm>> -> memref<32x768xf32, #tpu.memory_space<hbm>>
          %dma_wait3A_427 = arith.constant 0 : i32
          %dma_wait3A_428 = arith.constant 0 : i32
          %dma_wait3A_429 = tpu.memref_slice %arg5[%dma_wait3A_421, %dma_wait3A_422, %dma_wait3A_427, %dma_wait3A_428] : memref<2x16x1024x768xf32, #tpu.memory_space<hbm>> -> memref<1x1x32x768xf32, #tpu.memory_space<hbm>>
          %dma_wait3A_430 = tpu.memref_squeeze %dma_wait3A_429 : memref<1x1x32x768xf32, #tpu.memory_space<hbm>> -> memref<32x768xf32, #tpu.memory_space<hbm>>
          tpu.wait_dma2 semaphore(%arg14 : memref<!tpu.dma_semaphore, #tpu.memory_space<semaphore_mem>>) src(%arg9 : memref<32x768xf32, #tpu.memory_space<vmem>>) dst(%dma_wait3A_430 : memref<32x768xf32, #tpu.memory_space<hbm>>)
        } else {
        }
        %dma_start3A_359 = arith.constant 0 : i32
        %dma_start3A_360 = tpu.memref_slice %arg2[%select_n3A, %select_n3A_303, %mul3A_310, %dma_start3A_359] : memref<2x16x1024x768xf32, #tpu.memory_space<hbm>> -> memref<1x1x32x768xf32, #tpu.memory_space<hbm>>
        %dma_start3A_361 = tpu.memref_squeeze %dma_start3A_360 : memref<1x1x32x768xf32, #tpu.memory_space<hbm>> -> memref<32x768xf32, #tpu.memory_space<hbm>>
        %dma_start3A_362 = arith.constant 0 : i32
        %dma_start3A_363 = tpu.memref_slice %arg2[%select_n3A, %select_n3A_303, %mul3A_310, %dma_start3A_362] : memref<2x16x1024x768xf32, #tpu.memory_space<hbm>> -> memref<1x1x32x768xf32, #tpu.memory_space<hbm>>
        %dma_start3A_364 = tpu.memref_squeeze %dma_start3A_363 : memref<1x1x32x768xf32, #tpu.memory_space<hbm>> -> memref<32x768xf32, #tpu.memory_space<hbm>>
        tpu.enqueue_dma source(%dma_start3A_364 : memref<32x768xf32, #tpu.memory_space<hbm>>) target(%arg9 : memref<32x768xf32, #tpu.memory_space<vmem>>) target_semaphore(%arg16 : memref<!tpu.dma_semaphore, #tpu.memory_space<semaphore_mem>>)
        %dma_wait3A_365 = arith.constant 0 : i32
        %dma_wait3A_366 = arith.constant 0 : i32
        %dma_wait3A_367 = arith.constant 0 : i32
        %dma_wait3A_368 = arith.constant 0 : i32
        %dma_wait3A_369 = tpu.memref_slice %arg2[%dma_wait3A_365, %dma_wait3A_366, %dma_wait3A_367, %dma_wait3A_368] : memref<2x16x1024x768xf32, #tpu.memory_space<hbm>> -> memref<1x1x32x768xf32, #tpu.memory_space<hbm>>
        %dma_wait3A_370 = tpu.memref_squeeze %dma_wait3A_369 : memref<1x1x32x768xf32, #tpu.memory_space<hbm>> -> memref<32x768xf32, #tpu.memory_space<hbm>>
        %dma_wait3A_371 = arith.constant 0 : i32
        %dma_wait3A_372 = arith.constant 0 : i32
        %dma_wait3A_373 = tpu.memref_slice %arg2[%dma_wait3A_365, %dma_wait3A_366, %dma_wait3A_371, %dma_wait3A_372] : memref<2x16x1024x768xf32, #tpu.memory_space<hbm>> -> memref<1x1x32x768xf32, #tpu.memory_space<hbm>>
        %dma_wait3A_374 = tpu.memref_squeeze %dma_wait3A_373 : memref<1x1x32x768xf32, #tpu.memory_space<hbm>> -> memref<32x768xf32, #tpu.memory_space<hbm>>
        tpu.wait_dma2 semaphore(%arg15 : memref<!tpu.dma_semaphore, #tpu.memory_space<semaphore_mem>>) src(%dma_wait3A_374 : memref<32x768xf32, #tpu.memory_space<hbm>>) dst(%arg8 : memref<32x768xf32, #tpu.memory_space<vmem>>)
        %jit3A_375 = arith.constant 16 : i32
        %div3A_376 = arith.divsi %scan3A_272, %jit3A_375 : i32
        %sign3A_377 = arith.constant 0 : i32
        %sign3A_378 = arith.cmpi sgt, %scan3A_272, %sign3A_377 : i32
        %sign3A_379 = arith.extui %sign3A_378 : i1 to i32
        %sign3A_380 = arith.constant 0 : i32
        %sign3A_381 = arith.cmpi slt, %scan3A_272, %sign3A_380 : i32
        %sign3A_382 = arith.extui %sign3A_381 : i1 to i32
        %sign3A_383 = arith.subi %sign3A_379, %sign3A_382 : i32
        %sign3A_384 = arith.constant 0 : i32
        %sign3A_385 = arith.cmpi sgt, %jit3A_375, %sign3A_384 : i32
        %sign3A_386 = arith.extui %sign3A_385 : i1 to i32
        %sign3A_387 = arith.constant 0 : i32
        %sign3A_388 = arith.cmpi slt, %jit3A_375, %sign3A_387 : i32
        %sign3A_389 = arith.extui %sign3A_388 : i1 to i32
        %sign3A_390 = arith.subi %sign3A_386, %sign3A_389 : i32
        %ne3A_391 = arith.cmpi ne, %sign3A_383, %sign3A_390 : i32
        %rem3A_392 = arith.remsi %scan3A_272, %jit3A_375 : i32
        %ne3A_393 = arith.constant 0 : i32
        %ne3A_394 = arith.cmpi ne, %rem3A_392, %ne3A_393 : i32
        %and3A_395 = arith.andi %ne3A_391, %ne3A_394 : i1
        %sub3A_396 = arith.constant 1 : i32
        %sub3A_397 = arith.subi %div3A_376, %sub3A_396 : i32
        %select_n3A_398 = arith.select %and3A_395, %sub3A_397, %div3A_376 : i32
        %jit3A_399 = arith.constant 16 : i32
        %eq3A_400 = arith.constant 0 : i32
        %eq3A_401 = arith.cmpi eq, %jit3A_399, %eq3A_400 : i32
        %jit3A_402 = arith.constant 1 : i32
        %select_n3A_403 = arith.select %eq3A_401, %jit3A_402, %jit3A_399 : i32
        %rem3A_404 = arith.remsi %scan3A_272, %select_n3A_403 : i32
        %ne3A_405 = arith.constant 0 : i32
        %ne3A_406 = arith.cmpi ne, %rem3A_404, %ne3A_405 : i32
        %lt3A_407 = arith.constant 0 : i32
        %lt3A_408 = arith.cmpi slt, %rem3A_404, %lt3A_407 : i32
        %lt3A_409 = arith.constant 0 : i32
        %lt3A_410 = arith.cmpi slt, %select_n3A_403, %lt3A_409 : i32
        %ne3A_411 = arith.xori %lt3A_408, %lt3A_410 : i1
        %and3A_412 = arith.andi %ne3A_411, %ne3A_406 : i1
        %add3A_413 = arith.addi %rem3A_404, %select_n3A_403 : i32
        %select_n3A_414 = arith.select %and3A_412, %add3A_413, %rem3A_404 : i32
        %dma_start3A_415 = arith.constant 0 : i32
        %dma_start3A_416 = tpu.memref_slice %arg5[%select_n3A_398, %select_n3A_414, %multiple_of3A_320, %dma_start3A_415] : memref<2x16x1024x768xf32, #tpu.memory_space<hbm>> -> memref<1x1x32x768xf32, #tpu.memory_space<hbm>>
        %dma_start3A_417 = tpu.memref_squeeze %dma_start3A_416 : memref<1x1x32x768xf32, #tpu.memory_space<hbm>> -> memref<32x768xf32, #tpu.memory_space<hbm>>
        %dma_start3A_418 = arith.constant 0 : i32
        %dma_start3A_419 = tpu.memref_slice %arg5[%select_n3A_398, %select_n3A_414, %multiple_of3A_320, %dma_start3A_418] : memref<2x16x1024x768xf32, #tpu.memory_space<hbm>> -> memref<1x1x32x768xf32, #tpu.memory_space<hbm>>
        %dma_start3A_420 = tpu.memref_squeeze %dma_start3A_419 : memref<1x1x32x768xf32, #tpu.memory_space<hbm>> -> memref<32x768xf32, #tpu.memory_space<hbm>>
        tpu.enqueue_dma source(%arg8 : memref<32x768xf32, #tpu.memory_space<vmem>>) target(%dma_start3A_420 : memref<32x768xf32, #tpu.memory_space<hbm>>) target_semaphore(%arg13 : memref<!tpu.dma_semaphore, #tpu.memory_space<semaphore_mem>>)
      } else {
      }
      %convert_element_type3A_337 = arith.extui %and3A_316 : i1 to i32
      %cond3A_338 = arith.constant 0 : i32
      %cond3A_339 = arith.cmpi ne, %convert_element_type3A_337, %cond3A_338 : i32
      scf.if %cond3A_339 {
        %gt3A_354 = arith.constant 0 : i32
        %gt3A_355 = arith.cmpi sgt, %scan3A_270, %gt3A_354 : i32
        %convert_element_type3A_356 = arith.extui %gt3A_355 : i1 to i32
        %cond3A_357 = arith.constant 0 : i32
        %cond3A_358 = arith.cmpi ne, %convert_element_type3A_356, %cond3A_357 : i32
        scf.if %cond3A_358 {
          %dma_wait3A_366 = arith.constant 0 : i32
          %dma_wait3A_367 = arith.constant 0 : i32
          %dma_wait3A_368 = arith.constant 0 : i32
          %dma_wait3A_369 = arith.constant 0 : i32
          %dma_wait3A_370 = tpu.memref_slice %arg5[%dma_wait3A_366, %dma_wait3A_367, %dma_wait3A_368, %dma_wait3A_369] : memref<2x16x1024x768xf32, #tpu.memory_space<hbm>> -> memref<1x1x32x768xf32, #tpu.memory_space<hbm>>
          %dma_wait3A_371 = tpu.memref_squeeze %dma_wait3A_370 : memref<1x1x32x768xf32, #tpu.memory_space<hbm>> -> memref<32x768xf32, #tpu.memory_space<hbm>>
          %dma_wait3A_372 = arith.constant 0 : i32
          %dma_wait3A_373 = arith.constant 0 : i32
          %dma_wait3A_374 = tpu.memref_slice %arg5[%dma_wait3A_366, %dma_wait3A_367, %dma_wait3A_372, %dma_wait3A_373] : memref<2x16x1024x768xf32, #tpu.memory_space<hbm>> -> memref<1x1x32x768xf32, #tpu.memory_space<hbm>>
          %dma_wait3A_375 = tpu.memref_squeeze %dma_wait3A_374 : memref<1x1x32x768xf32, #tpu.memory_space<hbm>> -> memref<32x768xf32, #tpu.memory_space<hbm>>
          tpu.wait_dma2 semaphore(%arg12 : memref<!tpu.dma_semaphore, #tpu.memory_space<semaphore_mem>>) src(%arg10 : memref<32x768xf32, #tpu.memory_space<vmem>>) dst(%dma_wait3A_375 : memref<32x768xf32, #tpu.memory_space<hbm>>)
        } else {
        }
        "tpu.region"() ({
          %run_scoped3A = tpu.sem_alloc : memref<!tpu.dma_semaphore, #tpu.memory_space<semaphore_mem>>
          %dma_start3A_366 = arith.constant 0 : i32
          %dma_start3A_367 = tpu.memref_slice %arg2[%select_n3A, %select_n3A_303, %mul3A_310, %dma_start3A_366] : memref<2x16x1024x768xf32, #tpu.memory_space<hbm>> -> memref<1x1x32x768xf32, #tpu.memory_space<hbm>>
          %dma_start3A_368 = tpu.memref_squeeze %dma_start3A_367 : memref<1x1x32x768xf32, #tpu.memory_space<hbm>> -> memref<32x768xf32, #tpu.memory_space<hbm>>
          %dma_start3A_369 = arith.constant 0 : i32
          %dma_start3A_370 = tpu.memref_slice %arg2[%select_n3A, %select_n3A_303, %mul3A_310, %dma_start3A_369] : memref<2x16x1024x768xf32, #tpu.memory_space<hbm>> -> memref<1x1x32x768xf32, #tpu.memory_space<hbm>>
          %dma_start3A_371 = tpu.memref_squeeze %dma_start3A_370 : memref<1x1x32x768xf32, #tpu.memory_space<hbm>> -> memref<32x768xf32, #tpu.memory_space<hbm>>
          tpu.enqueue_dma source(%dma_start3A_371 : memref<32x768xf32, #tpu.memory_space<hbm>>) target(%arg10 : memref<32x768xf32, #tpu.memory_space<vmem>>) target_semaphore(%run_scoped3A : memref<!tpu.dma_semaphore, #tpu.memory_space<semaphore_mem>>)
          %dma_wait3A_372 = arith.constant 0 : i32
          %dma_wait3A_373 = tpu.memref_slice %arg2[%select_n3A, %select_n3A_303, %mul3A_310, %dma_wait3A_372] : memref<2x16x1024x768xf32, #tpu.memory_space<hbm>> -> memref<1x1x32x768xf32, #tpu.memory_space<hbm>>
          %dma_wait3A_374 = tpu.memref_squeeze %dma_wait3A_373 : memref<1x1x32x768xf32, #tpu.memory_space<hbm>> -> memref<32x768xf32, #tpu.memory_space<hbm>>
          %dma_wait3A_375 = arith.constant 0 : i32
          %dma_wait3A_376 = tpu.memref_slice %arg2[%select_n3A, %select_n3A_303, %mul3A_310, %dma_wait3A_375] : memref<2x16x1024x768xf32, #tpu.memory_space<hbm>> -> memref<1x1x32x768xf32, #tpu.memory_space<hbm>>
          %dma_wait3A_377 = tpu.memref_squeeze %dma_wait3A_376 : memref<1x1x32x768xf32, #tpu.memory_space<hbm>> -> memref<32x768xf32, #tpu.memory_space<hbm>>
          tpu.wait_dma2 semaphore(%run_scoped3A : memref<!tpu.dma_semaphore, #tpu.memory_space<semaphore_mem>>) src(%dma_wait3A_377 : memref<32x768xf32, #tpu.memory_space<hbm>>) dst(%arg10 : memref<32x768xf32, #tpu.memory_space<vmem>>)
          tpu.yield
        }) : () -> ()
        %sub3A_359 = arith.subi %squeeze3A, %mul3A_310 : i32
        %scan3A_360 = arith.constant 0 : i32
        %scan3A_361 = arith.constant 0 : i32
        %scan3A_362 = arith.constant 32 : i32
        %scan3A_363 = arith.addi %scan3A_361, %scan3A_362 : i32
        %scan3A_364 = arith.constant 1 : i32
        scf.for %scan3A_366 = %scan3A_361 to %scan3A_363 step %scan3A_364  : i32 {
          %lt3A_367 = arith.cmpi slt, %scan3A_366, %sub3A_359 : i32
          %convert_element_type3A_368 = arith.extui %lt3A_367 : i1 to i32
          %cond3A_369 = arith.constant 0 : i32
          %cond3A_370 = arith.cmpi ne, %convert_element_type3A_368, %cond3A_369 : i32
          scf.if %cond3A_370 {
            %add3A_375 = arith.addi %mul3A_310, %scan3A_366 : i32
            %dma_start3A_376 = arith.constant 0 : i32
            %dma_start3A_377 = tpu.memref_slice %arg10[%scan3A_366, %dma_start3A_376] : memref<32x768xf32, #tpu.memory_space<vmem>> -> memref<1x768xf32, #tpu.memory_space<vmem>>
            %dma_start3A_378 = tpu.memref_squeeze %dma_start3A_377 : memref<1x768xf32, #tpu.memory_space<vmem>> -> memref<768xf32, #tpu.memory_space<vmem>>
            %dma_start3A_379 = arith.constant 0 : i32
            %dma_start3A_380 = tpu.memref_slice %arg5[%select_n3A, %select_n3A_303, %add3A_375, %dma_start3A_379] : memref<2x16x1024x768xf32, #tpu.memory_space<hbm>> -> memref<1x1x1x768xf32, #tpu.memory_space<hbm>>
            %dma_start3A_381 = tpu.memref_squeeze %dma_start3A_380 : memref<1x1x1x768xf32, #tpu.memory_space<hbm>> -> memref<768xf32, #tpu.memory_space<hbm>>
            %dma_start3A_382 = arith.constant 0 : i32
            %dma_start3A_383 = tpu.memref_slice %arg5[%select_n3A, %select_n3A_303, %add3A_375, %dma_start3A_382] : memref<2x16x1024x768xf32, #tpu.memory_space<hbm>> -> memref<1x1x1x768xf32, #tpu.memory_space<hbm>>
            %dma_start3A_384 = tpu.memref_squeeze %dma_start3A_383 : memref<1x1x1x768xf32, #tpu.memory_space<hbm>> -> memref<768xf32, #tpu.memory_space<hbm>>
            %dma_start3A_385 = arith.constant 0 : i32
            %dma_start3A_386 = tpu.memref_slice %arg10[%scan3A_366, %dma_start3A_385] : memref<32x768xf32, #tpu.memory_space<vmem>> -> memref<1x768xf32, #tpu.memory_space<vmem>>
            %dma_start3A_387 = tpu.memref_squeeze %dma_start3A_386 : memref<1x768xf32, #tpu.memory_space<vmem>> -> memref<768xf32, #tpu.memory_space<vmem>>
            tpu.enqueue_dma source(%dma_start3A_387 : memref<768xf32, #tpu.memory_space<vmem>>) target(%dma_start3A_384 : memref<768xf32, #tpu.memory_space<hbm>>) target_semaphore(%arg12 : memref<!tpu.dma_semaphore, #tpu.memory_space<semaphore_mem>>)
          } else {
          }
          %ge3A_371 = arith.cmpi sge, %scan3A_366, %sub3A_359 : i32
          %convert_element_type3A_372 = arith.extui %ge3A_371 : i1 to i32
          %cond3A_373 = arith.constant 0 : i32
          %cond3A_374 = arith.cmpi ne, %convert_element_type3A_372, %cond3A_373 : i32
          scf.if %cond3A_374 {
            %add3A_375 = arith.addi %mul3A_310, %scan3A_366 : i32
            %dma_start3A_376 = arith.constant 0 : i32
            %dma_start3A_377 = arith.constant 0 : i32
            %dma_start3A_378 = tpu.memref_slice %arg7[%dma_start3A_376, %dma_start3A_377] : memref<32x768xf32, #tpu.memory_space<vmem>> -> memref<1x768xf32, #tpu.memory_space<vmem>>
            %dma_start3A_379 = tpu.memref_squeeze %dma_start3A_378 : memref<1x768xf32, #tpu.memory_space<vmem>> -> memref<768xf32, #tpu.memory_space<vmem>>
            %dma_start3A_380 = arith.constant 0 : i32
            %dma_start3A_381 = tpu.memref_slice %arg5[%select_n3A, %select_n3A_303, %add3A_375, %dma_start3A_380] : memref<2x16x1024x768xf32, #tpu.memory_space<hbm>> -> memref<1x1x1x768xf32, #tpu.memory_space<hbm>>
            %dma_start3A_382 = tpu.memref_squeeze %dma_start3A_381 : memref<1x1x1x768xf32, #tpu.memory_space<hbm>> -> memref<768xf32, #tpu.memory_space<hbm>>
            %dma_start3A_383 = arith.constant 0 : i32
            %dma_start3A_384 = tpu.memref_slice %arg5[%select_n3A, %select_n3A_303, %add3A_375, %dma_start3A_383] : memref<2x16x1024x768xf32, #tpu.memory_space<hbm>> -> memref<1x1x1x768xf32, #tpu.memory_space<hbm>>
            %dma_start3A_385 = tpu.memref_squeeze %dma_start3A_384 : memref<1x1x1x768xf32, #tpu.memory_space<hbm>> -> memref<768xf32, #tpu.memory_space<hbm>>
            %dma_start3A_386 = arith.constant 0 : i32
            %dma_start3A_387 = tpu.memref_slice %arg7[%dma_start3A_376, %dma_start3A_386] : memref<32x768xf32, #tpu.memory_space<vmem>> -> memref<1x768xf32, #tpu.memory_space<vmem>>
            %dma_start3A_388 = tpu.memref_squeeze %dma_start3A_387 : memref<1x768xf32, #tpu.memory_space<vmem>> -> memref<768xf32, #tpu.memory_space<vmem>>
            tpu.enqueue_dma source(%dma_start3A_388 : memref<768xf32, #tpu.memory_space<vmem>>) target(%dma_start3A_385 : memref<768xf32, #tpu.memory_space<hbm>>) target_semaphore(%arg12 : memref<!tpu.dma_semaphore, #tpu.memory_space<semaphore_mem>>)
          } else {
          }
        }
        %scan3A_365 = arith.constant 32 : i32
      } else {
      }
      %jit3A_340 = arith.constant 1 : i32
      %jit3A_341 = arith.constant 0 : i32
      %select_n3A_342 = arith.select %le3A, %jit3A_340, %jit3A_341 : i32
      %add3A_343 = arith.addi %scan3A_269, %select_n3A_342 : i32
      %jit3A_344 = arith.constant 1 : i32
      %jit3A_345 = arith.constant 0 : i32
      %select_n3A_346 = arith.select %and3A_316, %jit3A_344, %jit3A_345 : i32
      %add3A_347 = arith.addi %scan3A_270, %select_n3A_346 : i32
      %select_n3A_348 = arith.select %ge3A_313, %scan3A_268, %scan3A_272 : i32
      %select_n3A_349 = arith.select %ge3A_313, %mul3A_310, %multiple_of3A_320 : i32
      %jit3A_350 = arith.constant 1 : i32
      %jit3A_351 = arith.constant 0 : i32
      %select_n3A_352 = arith.select %ge3A_313, %jit3A_350, %jit3A_351 : i32
      %add3A_353 = arith.addi %scan3A_271, %select_n3A_352 : i32
      scf.yield %add3A_343, %add3A_347, %add3A_353, %select_n3A_348, %select_n3A_349 : i32, i32, i32, i32, i32
    }
    %scan3A_242 = arith.constant 32 : i32
    %multiple_of3A = tpu.assume_multiple %scan3A_241#4, 32 : i32
    %ge3A = arith.constant 1 : i32
    %ge3A_243 = arith.cmpi sge, %scan3A_241#2, %ge3A : i32
    %convert_element_type3A = arith.extui %ge3A_243 : i1 to i32
    %cond3A = arith.constant 0 : i32
    %cond3A_244 = arith.cmpi ne, %convert_element_type3A, %cond3A : i32
    scf.if %cond3A_244 {
      %rem3A = arith.constant 2 : i32
      %rem3A_268 = arith.remsi %scan3A_241#2, %rem3A : i32
      %eq3A = arith.constant 1 : i32
      %eq3A_269 = arith.cmpi eq, %rem3A_268, %eq3A : i32
      %convert_element_type3A_270 = arith.extui %eq3A_269 : i1 to i32
      %cond3A_271 = arith.constant 0 : i32
      %cond3A_272 = arith.cmpi ne, %convert_element_type3A_270, %cond3A_271 : i32
      scf.if %cond3A_272 {
        %dma_wait3A_280 = arith.constant 0 : i32
        %dma_wait3A_281 = arith.constant 0 : i32
        %dma_wait3A_282 = arith.constant 0 : i32
        %dma_wait3A_283 = arith.constant 0 : i32
        %dma_wait3A_284 = tpu.memref_slice %arg2[%dma_wait3A_280, %dma_wait3A_281, %dma_wait3A_282, %dma_wait3A_283] : memref<2x16x1024x768xf32, #tpu.memory_space<hbm>> -> memref<1x1x32x768xf32, #tpu.memory_space<hbm>>
        %dma_wait3A_285 = tpu.memref_squeeze %dma_wait3A_284 : memref<1x1x32x768xf32, #tpu.memory_space<hbm>> -> memref<32x768xf32, #tpu.memory_space<hbm>>
        %dma_wait3A_286 = arith.constant 0 : i32
        %dma_wait3A_287 = arith.constant 0 : i32
        %dma_wait3A_288 = tpu.memref_slice %arg2[%dma_wait3A_280, %dma_wait3A_281, %dma_wait3A_286, %dma_wait3A_287] : memref<2x16x1024x768xf32, #tpu.memory_space<hbm>> -> memref<1x1x32x768xf32, #tpu.memory_space<hbm>>
        %dma_wait3A_289 = tpu.memref_squeeze %dma_wait3A_288 : memref<1x1x32x768xf32, #tpu.memory_space<hbm>> -> memref<32x768xf32, #tpu.memory_space<hbm>>
        tpu.wait_dma2 semaphore(%arg15 : memref<!tpu.dma_semaphore, #tpu.memory_space<semaphore_mem>>) src(%dma_wait3A_289 : memref<32x768xf32, #tpu.memory_space<hbm>>) dst(%arg8 : memref<32x768xf32, #tpu.memory_space<vmem>>)
        %jit3A = arith.constant 16 : i32
        %div3A = arith.divsi %scan3A_241#3, %jit3A : i32
        %sign3A = arith.constant 0 : i32
        %sign3A_290 = arith.cmpi sgt, %scan3A_241#3, %sign3A : i32
        %sign3A_291 = arith.extui %sign3A_290 : i1 to i32
        %sign3A_292 = arith.constant 0 : i32
        %sign3A_293 = arith.cmpi slt, %scan3A_241#3, %sign3A_292 : i32
        %sign3A_294 = arith.extui %sign3A_293 : i1 to i32
        %sign3A_295 = arith.subi %sign3A_291, %sign3A_294 : i32
        %sign3A_296 = arith.constant 0 : i32
        %sign3A_297 = arith.cmpi sgt, %jit3A, %sign3A_296 : i32
        %sign3A_298 = arith.extui %sign3A_297 : i1 to i32
        %sign3A_299 = arith.constant 0 : i32
        %sign3A_300 = arith.cmpi slt, %jit3A, %sign3A_299 : i32
        %sign3A_301 = arith.extui %sign3A_300 : i1 to i32
        %sign3A_302 = arith.subi %sign3A_298, %sign3A_301 : i32
        %ne3A = arith.cmpi ne, %sign3A_295, %sign3A_302 : i32
        %rem3A_303 = arith.remsi %scan3A_241#3, %jit3A : i32
        %ne3A_304 = arith.constant 0 : i32
        %ne3A_305 = arith.cmpi ne, %rem3A_303, %ne3A_304 : i32
        %and3A = arith.andi %ne3A, %ne3A_305 : i1
        %sub3A = arith.constant 1 : i32
        %sub3A_306 = arith.subi %div3A, %sub3A : i32
        %select_n3A = arith.select %and3A, %sub3A_306, %div3A : i32
        %jit3A_307 = arith.constant 16 : i32
        %eq3A_308 = arith.constant 0 : i32
        %eq3A_309 = arith.cmpi eq, %jit3A_307, %eq3A_308 : i32
        %jit3A_310 = arith.constant 1 : i32
        %select_n3A_311 = arith.select %eq3A_309, %jit3A_310, %jit3A_307 : i32
        %rem3A_312 = arith.remsi %scan3A_241#3, %select_n3A_311 : i32
        %ne3A_313 = arith.constant 0 : i32
        %ne3A_314 = arith.cmpi ne, %rem3A_312, %ne3A_313 : i32
        %lt3A = arith.constant 0 : i32
        %lt3A_315 = arith.cmpi slt, %rem3A_312, %lt3A : i32
        %lt3A_316 = arith.constant 0 : i32
        %lt3A_317 = arith.cmpi slt, %select_n3A_311, %lt3A_316 : i32
        %ne3A_318 = arith.xori %lt3A_315, %lt3A_317 : i1
        %and3A_319 = arith.andi %ne3A_318, %ne3A_314 : i1
        %add3A_320 = arith.addi %rem3A_312, %select_n3A_311 : i32
        %select_n3A_321 = arith.select %and3A_319, %add3A_320, %rem3A_312 : i32
        %dma_start3A_322 = arith.constant 0 : i32
        %dma_start3A_323 = tpu.memref_slice %arg5[%select_n3A, %select_n3A_321, %multiple_of3A, %dma_start3A_322] : memref<2x16x1024x768xf32, #tpu.memory_space<hbm>> -> memref<1x1x32x768xf32, #tpu.memory_space<hbm>>
        %dma_start3A_324 = tpu.memref_squeeze %dma_start3A_323 : memref<1x1x32x768xf32, #tpu.memory_space<hbm>> -> memref<32x768xf32, #tpu.memory_space<hbm>>
        %dma_start3A_325 = arith.constant 0 : i32
        %dma_start3A_326 = tpu.memref_slice %arg5[%select_n3A, %select_n3A_321, %multiple_of3A, %dma_start3A_325] : memref<2x16x1024x768xf32, #tpu.memory_space<hbm>> -> memref<1x1x32x768xf32, #tpu.memory_space<hbm>>
        %dma_start3A_327 = tpu.memref_squeeze %dma_start3A_326 : memref<1x1x32x768xf32, #tpu.memory_space<hbm>> -> memref<32x768xf32, #tpu.memory_space<hbm>>
        tpu.enqueue_dma source(%arg8 : memref<32x768xf32, #tpu.memory_space<vmem>>) target(%dma_start3A_327 : memref<32x768xf32, #tpu.memory_space<hbm>>) target_semaphore(%arg13 : memref<!tpu.dma_semaphore, #tpu.memory_space<semaphore_mem>>)
      } else {
      }
      %rem3A_273 = arith.constant 2 : i32
      %rem3A_274 = arith.remsi %scan3A_241#2, %rem3A_273 : i32
      %eq3A_275 = arith.constant 0 : i32
      %eq3A_276 = arith.cmpi eq, %rem3A_274, %eq3A_275 : i32
      %convert_element_type3A_277 = arith.extui %eq3A_276 : i1 to i32
      %cond3A_278 = arith.constant 0 : i32
      %cond3A_279 = arith.cmpi ne, %convert_element_type3A_277, %cond3A_278 : i32
      scf.if %cond3A_279 {
        %dma_wait3A_280 = arith.constant 0 : i32
        %dma_wait3A_281 = arith.constant 0 : i32
        %dma_wait3A_282 = arith.constant 0 : i32
        %dma_wait3A_283 = arith.constant 0 : i32
        %dma_wait3A_284 = tpu.memref_slice %arg2[%dma_wait3A_280, %dma_wait3A_281, %dma_wait3A_282, %dma_wait3A_283] : memref<2x16x1024x768xf32, #tpu.memory_space<hbm>> -> memref<1x1x32x768xf32, #tpu.memory_space<hbm>>
        %dma_wait3A_285 = tpu.memref_squeeze %dma_wait3A_284 : memref<1x1x32x768xf32, #tpu.memory_space<hbm>> -> memref<32x768xf32, #tpu.memory_space<hbm>>
        %dma_wait3A_286 = arith.constant 0 : i32
        %dma_wait3A_287 = arith.constant 0 : i32
        %dma_wait3A_288 = tpu.memref_slice %arg2[%dma_wait3A_280, %dma_wait3A_281, %dma_wait3A_286, %dma_wait3A_287] : memref<2x16x1024x768xf32, #tpu.memory_space<hbm>> -> memref<1x1x32x768xf32, #tpu.memory_space<hbm>>
        %dma_wait3A_289 = tpu.memref_squeeze %dma_wait3A_288 : memref<1x1x32x768xf32, #tpu.memory_space<hbm>> -> memref<32x768xf32, #tpu.memory_space<hbm>>
        tpu.wait_dma2 semaphore(%arg16 : memref<!tpu.dma_semaphore, #tpu.memory_space<semaphore_mem>>) src(%dma_wait3A_289 : memref<32x768xf32, #tpu.memory_space<hbm>>) dst(%arg9 : memref<32x768xf32, #tpu.memory_space<vmem>>)
        %jit3A = arith.constant 16 : i32
        %div3A = arith.divsi %scan3A_241#3, %jit3A : i32
        %sign3A = arith.constant 0 : i32
        %sign3A_290 = arith.cmpi sgt, %scan3A_241#3, %sign3A : i32
        %sign3A_291 = arith.extui %sign3A_290 : i1 to i32
        %sign3A_292 = arith.constant 0 : i32
        %sign3A_293 = arith.cmpi slt, %scan3A_241#3, %sign3A_292 : i32
        %sign3A_294 = arith.extui %sign3A_293 : i1 to i32
        %sign3A_295 = arith.subi %sign3A_291, %sign3A_294 : i32
        %sign3A_296 = arith.constant 0 : i32
        %sign3A_297 = arith.cmpi sgt, %jit3A, %sign3A_296 : i32
        %sign3A_298 = arith.extui %sign3A_297 : i1 to i32
        %sign3A_299 = arith.constant 0 : i32
        %sign3A_300 = arith.cmpi slt, %jit3A, %sign3A_299 : i32
        %sign3A_301 = arith.extui %sign3A_300 : i1 to i32
        %sign3A_302 = arith.subi %sign3A_298, %sign3A_301 : i32
        %ne3A = arith.cmpi ne, %sign3A_295, %sign3A_302 : i32
        %rem3A_303 = arith.remsi %scan3A_241#3, %jit3A : i32
        %ne3A_304 = arith.constant 0 : i32
        %ne3A_305 = arith.cmpi ne, %rem3A_303, %ne3A_304 : i32
        %and3A = arith.andi %ne3A, %ne3A_305 : i1
        %sub3A = arith.constant 1 : i32
        %sub3A_306 = arith.subi %div3A, %sub3A : i32
        %select_n3A = arith.select %and3A, %sub3A_306, %div3A : i32
        %jit3A_307 = arith.constant 16 : i32
        %eq3A_308 = arith.constant 0 : i32
        %eq3A_309 = arith.cmpi eq, %jit3A_307, %eq3A_308 : i32
        %jit3A_310 = arith.constant 1 : i32
        %select_n3A_311 = arith.select %eq3A_309, %jit3A_310, %jit3A_307 : i32
        %rem3A_312 = arith.remsi %scan3A_241#3, %select_n3A_311 : i32
        %ne3A_313 = arith.constant 0 : i32
        %ne3A_314 = arith.cmpi ne, %rem3A_312, %ne3A_313 : i32
        %lt3A = arith.constant 0 : i32
        %lt3A_315 = arith.cmpi slt, %rem3A_312, %lt3A : i32
        %lt3A_316 = arith.constant 0 : i32
        %lt3A_317 = arith.cmpi slt, %select_n3A_311, %lt3A_316 : i32
        %ne3A_318 = arith.xori %lt3A_315, %lt3A_317 : i1
        %and3A_319 = arith.andi %ne3A_318, %ne3A_314 : i1
        %add3A_320 = arith.addi %rem3A_312, %select_n3A_311 : i32
        %select_n3A_321 = arith.select %and3A_319, %add3A_320, %rem3A_312 : i32
        %dma_start3A_322 = arith.constant 0 : i32
        %dma_start3A_323 = tpu.memref_slice %arg5[%select_n3A, %select_n3A_321, %multiple_of3A, %dma_start3A_322] : memref<2x16x1024x768xf32, #tpu.memory_space<hbm>> -> memref<1x1x32x768xf32, #tpu.memory_space<hbm>>
        %dma_start3A_324 = tpu.memref_squeeze %dma_start3A_323 : memref<1x1x32x768xf32, #tpu.memory_space<hbm>> -> memref<32x768xf32, #tpu.memory_space<hbm>>
        %dma_start3A_325 = arith.constant 0 : i32
        %dma_start3A_326 = tpu.memref_slice %arg5[%select_n3A, %select_n3A_321, %multiple_of3A, %dma_start3A_325] : memref<2x16x1024x768xf32, #tpu.memory_space<hbm>> -> memref<1x1x32x768xf32, #tpu.memory_space<hbm>>
        %dma_start3A_327 = tpu.memref_squeeze %dma_start3A_326 : memref<1x1x32x768xf32, #tpu.memory_space<hbm>> -> memref<32x768xf32, #tpu.memory_space<hbm>>
        tpu.enqueue_dma source(%arg9 : memref<32x768xf32, #tpu.memory_space<vmem>>) target(%dma_start3A_327 : memref<32x768xf32, #tpu.memory_space<hbm>>) target_semaphore(%arg14 : memref<!tpu.dma_semaphore, #tpu.memory_space<semaphore_mem>>)
      } else {
      }
    } else {
    }
    %while3A = arith.constant 0 : i32
    %while3A_245 = arith.constant 0 : i32
    %while3A_246 = arith.subi %scan3A_241#0, %while3A_245 : i32
    %while3A_247 = arith.addi %while3A_245, %while3A_246 : i32
    %while3A_248 = arith.constant 1 : i32
    %while3A_249 = arith.divsi %while3A_246, %while3A_248 : i32
    %while3A_250 = arith.muli %while3A_249, %while3A_248 : i32
    %while3A_251 = arith.addi %while3A_245, %while3A_250 : i32
    %while3A_252 = arith.constant 1 : i32
    scf.for %while3A_268 = %while3A_245 to %while3A_251 step %while3A_252  : i32 {
      %dma_wait3A_269 = arith.constant 0 : i32
      %dma_wait3A_270 = arith.constant 0 : i32
      %dma_wait3A_271 = arith.constant 0 : i32
      %dma_wait3A_272 = arith.constant 0 : i32
      %dma_wait3A_273 = tpu.memref_slice %arg5[%dma_wait3A_269, %dma_wait3A_270, %dma_wait3A_271, %dma_wait3A_272] : memref<2x16x1024x768xf32, #tpu.memory_space<hbm>> -> memref<1x1x32x768xf32, #tpu.memory_space<hbm>>
      %dma_wait3A_274 = tpu.memref_squeeze %dma_wait3A_273 : memref<1x1x32x768xf32, #tpu.memory_space<hbm>> -> memref<32x768xf32, #tpu.memory_space<hbm>>
      %dma_wait3A_275 = arith.constant 0 : i32
      %dma_wait3A_276 = arith.constant 0 : i32
      %dma_wait3A_277 = tpu.memref_slice %arg5[%dma_wait3A_269, %dma_wait3A_270, %dma_wait3A_275, %dma_wait3A_276] : memref<2x16x1024x768xf32, #tpu.memory_space<hbm>> -> memref<1x1x32x768xf32, #tpu.memory_space<hbm>>
      %dma_wait3A_278 = tpu.memref_squeeze %dma_wait3A_277 : memref<1x1x32x768xf32, #tpu.memory_space<hbm>> -> memref<32x768xf32, #tpu.memory_space<hbm>>
      tpu.wait_dma2 semaphore(%arg11 : memref<!tpu.dma_semaphore, #tpu.memory_space<semaphore_mem>>) src(%arg7 : memref<32x768xf32, #tpu.memory_space<vmem>>) dst(%dma_wait3A_278 : memref<32x768xf32, #tpu.memory_space<hbm>>)
    }
    %while3A_253 = arith.constant 1 : i32
    scf.for %while3A_268 = %while3A_251 to %while3A_247 step %while3A_253  : i32 {
      %dma_wait3A_269 = arith.constant 0 : i32
      %dma_wait3A_270 = arith.constant 0 : i32
      %dma_wait3A_271 = arith.constant 0 : i32
      %dma_wait3A_272 = arith.constant 0 : i32
      %dma_wait3A_273 = tpu.memref_slice %arg5[%dma_wait3A_269, %dma_wait3A_270, %dma_wait3A_271, %dma_wait3A_272] : memref<2x16x1024x768xf32, #tpu.memory_space<hbm>> -> memref<1x1x32x768xf32, #tpu.memory_space<hbm>>
      %dma_wait3A_274 = tpu.memref_squeeze %dma_wait3A_273 : memref<1x1x32x768xf32, #tpu.memory_space<hbm>> -> memref<32x768xf32, #tpu.memory_space<hbm>>
      %dma_wait3A_275 = arith.constant 0 : i32
      %dma_wait3A_276 = arith.constant 0 : i32
      %dma_wait3A_277 = tpu.memref_slice %arg5[%dma_wait3A_269, %dma_wait3A_270, %dma_wait3A_275, %dma_wait3A_276] : memref<2x16x1024x768xf32, #tpu.memory_space<hbm>> -> memref<1x1x32x768xf32, #tpu.memory_space<hbm>>
      %dma_wait3A_278 = tpu.memref_squeeze %dma_wait3A_277 : memref<1x1x32x768xf32, #tpu.memory_space<hbm>> -> memref<32x768xf32, #tpu.memory_space<hbm>>
      tpu.wait_dma2 semaphore(%arg11 : memref<!tpu.dma_semaphore, #tpu.memory_space<semaphore_mem>>) src(%arg7 : memref<32x768xf32, #tpu.memory_space<vmem>>) dst(%dma_wait3A_278 : memref<32x768xf32, #tpu.memory_space<hbm>>)
    }
    %gt3A = arith.constant 0 : i32
    %gt3A_254 = arith.cmpi sgt, %scan3A_241#1, %gt3A : i32
    %convert_element_type3A_255 = arith.extui %gt3A_254 : i1 to i32
    %cond3A_256 = arith.constant 0 : i32
    %cond3A_257 = arith.cmpi ne, %convert_element_type3A_255, %cond3A_256 : i32
    scf.if %cond3A_257 {
      %dma_wait3A_268 = arith.constant 0 : i32
      %dma_wait3A_269 = arith.constant 0 : i32
      %dma_wait3A_270 = arith.constant 0 : i32
      %dma_wait3A_271 = arith.constant 0 : i32
      %dma_wait3A_272 = tpu.memref_slice %arg5[%dma_wait3A_268, %dma_wait3A_269, %dma_wait3A_270, %dma_wait3A_271] : memref<2x16x1024x768xf32, #tpu.memory_space<hbm>> -> memref<1x1x32x768xf32, #tpu.memory_space<hbm>>
      %dma_wait3A_273 = tpu.memref_squeeze %dma_wait3A_272 : memref<1x1x32x768xf32, #tpu.memory_space<hbm>> -> memref<32x768xf32, #tpu.memory_space<hbm>>
      %dma_wait3A_274 = arith.constant 0 : i32
      %dma_wait3A_275 = arith.constant 0 : i32
      %dma_wait3A_276 = tpu.memref_slice %arg5[%dma_wait3A_268, %dma_wait3A_269, %dma_wait3A_274, %dma_wait3A_275] : memref<2x16x1024x768xf32, #tpu.memory_space<hbm>> -> memref<1x1x32x768xf32, #tpu.memory_space<hbm>>
      %dma_wait3A_277 = tpu.memref_squeeze %dma_wait3A_276 : memref<1x1x32x768xf32, #tpu.memory_space<hbm>> -> memref<32x768xf32, #tpu.memory_space<hbm>>
      tpu.wait_dma2 semaphore(%arg12 : memref<!tpu.dma_semaphore, #tpu.memory_space<semaphore_mem>>) src(%arg10 : memref<32x768xf32, #tpu.memory_space<vmem>>) dst(%dma_wait3A_277 : memref<32x768xf32, #tpu.memory_space<hbm>>)
    } else {
    }
    %ge3A_258 = arith.constant 1 : i32
    %ge3A_259 = arith.cmpi sge, %scan3A_241#2, %ge3A_258 : i32
    %convert_element_type3A_260 = arith.extui %ge3A_259 : i1 to i32
    %cond3A_261 = arith.constant 0 : i32
    %cond3A_262 = arith.cmpi ne, %convert_element_type3A_260, %cond3A_261 : i32
    scf.if %cond3A_262 {
      %rem3A = arith.constant 2 : i32
      %rem3A_268 = arith.remsi %scan3A_241#2, %rem3A : i32
      %eq3A = arith.constant 1 : i32
      %eq3A_269 = arith.cmpi eq, %rem3A_268, %eq3A : i32
      %convert_element_type3A_270 = arith.extui %eq3A_269 : i1 to i32
      %cond3A_271 = arith.constant 0 : i32
      %cond3A_272 = arith.cmpi ne, %convert_element_type3A_270, %cond3A_271 : i32
      scf.if %cond3A_272 {
        %dma_wait3A_280 = arith.constant 0 : i32
        %dma_wait3A_281 = arith.constant 0 : i32
        %dma_wait3A_282 = arith.constant 0 : i32
        %dma_wait3A_283 = arith.constant 0 : i32
        %dma_wait3A_284 = tpu.memref_slice %arg5[%dma_wait3A_280, %dma_wait3A_281, %dma_wait3A_282, %dma_wait3A_283] : memref<2x16x1024x768xf32, #tpu.memory_space<hbm>> -> memref<1x1x32x768xf32, #tpu.memory_space<hbm>>
        %dma_wait3A_285 = tpu.memref_squeeze %dma_wait3A_284 : memref<1x1x32x768xf32, #tpu.memory_space<hbm>> -> memref<32x768xf32, #tpu.memory_space<hbm>>
        %dma_wait3A_286 = arith.constant 0 : i32
        %dma_wait3A_287 = arith.constant 0 : i32
        %dma_wait3A_288 = tpu.memref_slice %arg5[%dma_wait3A_280, %dma_wait3A_281, %dma_wait3A_286, %dma_wait3A_287] : memref<2x16x1024x768xf32, #tpu.memory_space<hbm>> -> memref<1x1x32x768xf32, #tpu.memory_space<hbm>>
        %dma_wait3A_289 = tpu.memref_squeeze %dma_wait3A_288 : memref<1x1x32x768xf32, #tpu.memory_space<hbm>> -> memref<32x768xf32, #tpu.memory_space<hbm>>
        tpu.wait_dma2 semaphore(%arg13 : memref<!tpu.dma_semaphore, #tpu.memory_space<semaphore_mem>>) src(%arg8 : memref<32x768xf32, #tpu.memory_space<vmem>>) dst(%dma_wait3A_289 : memref<32x768xf32, #tpu.memory_space<hbm>>)
      } else {
      }
      %rem3A_273 = arith.constant 2 : i32
      %rem3A_274 = arith.remsi %scan3A_241#2, %rem3A_273 : i32
      %eq3A_275 = arith.constant 0 : i32
      %eq3A_276 = arith.cmpi eq, %rem3A_274, %eq3A_275 : i32
      %convert_element_type3A_277 = arith.extui %eq3A_276 : i1 to i32
      %cond3A_278 = arith.constant 0 : i32
      %cond3A_279 = arith.cmpi ne, %convert_element_type3A_277, %cond3A_278 : i32
      scf.if %cond3A_279 {
        %dma_wait3A_280 = arith.constant 0 : i32
        %dma_wait3A_281 = arith.constant 0 : i32
        %dma_wait3A_282 = arith.constant 0 : i32
        %dma_wait3A_283 = arith.constant 0 : i32
        %dma_wait3A_284 = tpu.memref_slice %arg5[%dma_wait3A_280, %dma_wait3A_281, %dma_wait3A_282, %dma_wait3A_283] : memref<2x16x1024x768xf32, #tpu.memory_space<hbm>> -> memref<1x1x32x768xf32, #tpu.memory_space<hbm>>
        %dma_wait3A_285 = tpu.memref_squeeze %dma_wait3A_284 : memref<1x1x32x768xf32, #tpu.memory_space<hbm>> -> memref<32x768xf32, #tpu.memory_space<hbm>>
        %dma_wait3A_286 = arith.constant 0 : i32
        %dma_wait3A_287 = arith.constant 0 : i32
        %dma_wait3A_288 = tpu.memref_slice %arg5[%dma_wait3A_280, %dma_wait3A_281, %dma_wait3A_286, %dma_wait3A_287] : memref<2x16x1024x768xf32, #tpu.memory_space<hbm>> -> memref<1x1x32x768xf32, #tpu.memory_space<hbm>>
        %dma_wait3A_289 = tpu.memref_squeeze %dma_wait3A_288 : memref<1x1x32x768xf32, #tpu.memory_space<hbm>> -> memref<32x768xf32, #tpu.memory_space<hbm>>
        tpu.wait_dma2 semaphore(%arg14 : memref<!tpu.dma_semaphore, #tpu.memory_space<semaphore_mem>>) src(%arg9 : memref<32x768xf32, #tpu.memory_space<vmem>>) dst(%dma_wait3A_289 : memref<32x768xf32, #tpu.memory_space<hbm>>)
      } else {
      }
    } else {
    }
    %ge3A_263 = arith.constant 2 : i32
    %ge3A_264 = arith.cmpi sge, %scan3A_241#2, %ge3A_263 : i32
    %convert_element_type3A_265 = arith.extui %ge3A_264 : i1 to i32
    %cond3A_266 = arith.constant 0 : i32
    %cond3A_267 = arith.cmpi ne, %convert_element_type3A_265, %cond3A_266 : i32
    scf.if %cond3A_267 {
      %rem3A = arith.constant 2 : i32
      %rem3A_268 = arith.remsi %scan3A_241#2, %rem3A : i32
      %eq3A = arith.constant 1 : i32
      %eq3A_269 = arith.cmpi eq, %rem3A_268, %eq3A : i32
      %convert_element_type3A_270 = arith.extui %eq3A_269 : i1 to i32
      %cond3A_271 = arith.constant 0 : i32
      %cond3A_272 = arith.cmpi ne, %convert_element_type3A_270, %cond3A_271 : i32
      scf.if %cond3A_272 {
        %dma_wait3A_280 = arith.constant 0 : i32
        %dma_wait3A_281 = arith.constant 0 : i32
        %dma_wait3A_282 = arith.constant 0 : i32
        %dma_wait3A_283 = arith.constant 0 : i32
        %dma_wait3A_284 = tpu.memref_slice %arg5[%dma_wait3A_280, %dma_wait3A_281, %dma_wait3A_282, %dma_wait3A_283] : memref<2x16x1024x768xf32, #tpu.memory_space<hbm>> -> memref<1x1x32x768xf32, #tpu.memory_space<hbm>>
        %dma_wait3A_285 = tpu.memref_squeeze %dma_wait3A_284 : memref<1x1x32x768xf32, #tpu.memory_space<hbm>> -> memref<32x768xf32, #tpu.memory_space<hbm>>
        %dma_wait3A_286 = arith.constant 0 : i32
        %dma_wait3A_287 = arith.constant 0 : i32
        %dma_wait3A_288 = tpu.memref_slice %arg5[%dma_wait3A_280, %dma_wait3A_281, %dma_wait3A_286, %dma_wait3A_287] : memref<2x16x1024x768xf32, #tpu.memory_space<hbm>> -> memref<1x1x32x768xf32, #tpu.memory_space<hbm>>
        %dma_wait3A_289 = tpu.memref_squeeze %dma_wait3A_288 : memref<1x1x32x768xf32, #tpu.memory_space<hbm>> -> memref<32x768xf32, #tpu.memory_space<hbm>>
        tpu.wait_dma2 semaphore(%arg14 : memref<!tpu.dma_semaphore, #tpu.memory_space<semaphore_mem>>) src(%arg9 : memref<32x768xf32, #tpu.memory_space<vmem>>) dst(%dma_wait3A_289 : memref<32x768xf32, #tpu.memory_space<hbm>>)
      } else {
      }
      %rem3A_273 = arith.constant 2 : i32
      %rem3A_274 = arith.remsi %scan3A_241#2, %rem3A_273 : i32
      %eq3A_275 = arith.constant 0 : i32
      %eq3A_276 = arith.cmpi eq, %rem3A_274, %eq3A_275 : i32
      %convert_element_type3A_277 = arith.extui %eq3A_276 : i1 to i32
      %cond3A_278 = arith.constant 0 : i32
      %cond3A_279 = arith.cmpi ne, %convert_element_type3A_277, %cond3A_278 : i32
      scf.if %cond3A_279 {
        %dma_wait3A_280 = arith.constant 0 : i32
        %dma_wait3A_281 = arith.constant 0 : i32
        %dma_wait3A_282 = arith.constant 0 : i32
        %dma_wait3A_283 = arith.constant 0 : i32
        %dma_wait3A_284 = tpu.memref_slice %arg5[%dma_wait3A_280, %dma_wait3A_281, %dma_wait3A_282, %dma_wait3A_283] : memref<2x16x1024x768xf32, #tpu.memory_space<hbm>> -> memref<1x1x32x768xf32, #tpu.memory_space<hbm>>
        %dma_wait3A_285 = tpu.memref_squeeze %dma_wait3A_284 : memref<1x1x32x768xf32, #tpu.memory_space<hbm>> -> memref<32x768xf32, #tpu.memory_space<hbm>>
        %dma_wait3A_286 = arith.constant 0 : i32
        %dma_wait3A_287 = arith.constant 0 : i32
        %dma_wait3A_288 = tpu.memref_slice %arg5[%dma_wait3A_280, %dma_wait3A_281, %dma_wait3A_286, %dma_wait3A_287] : memref<2x16x1024x768xf32, #tpu.memory_space<hbm>> -> memref<1x1x32x768xf32, #tpu.memory_space<hbm>>
        %dma_wait3A_289 = tpu.memref_squeeze %dma_wait3A_288 : memref<1x1x32x768xf32, #tpu.memory_space<hbm>> -> memref<32x768xf32, #tpu.memory_space<hbm>>
        tpu.wait_dma2 semaphore(%arg13 : memref<!tpu.dma_semaphore, #tpu.memory_space<semaphore_mem>>) src(%arg8 : memref<32x768xf32, #tpu.memory_space<vmem>>) dst(%dma_wait3A_289 : memref<32x768xf32, #tpu.memory_space<hbm>>)
      } else {
      }
    } else {
    }
    return
  }
}

</mosaic_0001>

<sc_bundles>
// kernel: kernel.3.cloned.1.call-start
scs
__scs_entry_jumppad:
0x0: {  	(pc) =	sbr.rel $0x88, $3  }
0x1: {  	(tag) =	ssettag $0x0;
	lr =	simm.s32 $0x1  }
0x2: {  	[smem:$0x3F9E] =	sst lr;
	_ =	strace $0xD0000000  }
0x3: {  	_ = 	snop  }
0x4: {  	_ = 	snop  }
0x5: {  	_ = 	snop  }
0x6: {  	_ = 	snop  }
0x7: {  	_ = 	snop  }
__scs_overlays_trampoline_lowered:
0x8: {  	[smem:$0x3FAD] =	sst s0  }
0x9: {  	[smem:$0x3FAE] =	sst s1  }
0xa: {  	[smem:$0x3FAF] =	sst s2  }
0xb: {  	[smem:$0x3FB0] =	sst s3  }
0xc: {  	[smem:$0x3FB1] =	sst s4  }
0xd: {  	[smem:$0x3FB2] =	sst s5  }
0xe: {  	[smem:$0x3FB3] =	sst s6  }
0xf: {  	[smem:$0x3FB4] =	sst s7  }
0x10: {  	[smem:$0x3FB5] =	sst s8  }
0x11: {  	[smem:$0x3FB6] =	sst s9;
	s0 =	simm.s32 @!p0 $0x0  }
0x12: {  	s1 =	sld [smem:$0x3F9C];
	s0 =	simm.s32 @p0 $0x1  }
0x13: {  	[smem:$0x3FB7] =	sst s0;
	s0 =	simm.s32 @!p1 $0x0  }
0x14: {  	s2 =	sld [smem:$0x3F9B];
	s0 =	simm.s32 @p1 $0x1  }
0x15: {  	[smem:$0x3FB8] =	sst s0;
	s0 =	simm.s32 @!p2 $0x0  }
0x16: {  	s3 =	sld [smem:$0x3FDB];
	s0 =	simm.s32 @p2 $0x1  }
0x17: {  	s4 =	simm.s32 $0x1BF5;
	[smem:$0x3FBA] =	sst s0  }
0x18: {  	s0 =	sld [smem:$0x3F9D];
	_ =	swait.ge [sflag:s4], $0x0  }
0x19: {  	s7 =	sld [smem:$0x3F9E]  }
0x1a: {  	s8 =	sadd.s32 $0xFFFFE003, lr  }
0x1b: {  	s9 =	sadd.s32 $0xFFFFFEF7, lr;
	s5 =	simm.s32 $0xFFFFFFFF;
	p2 =	slt.u32 s8, $0xFFFFF086  }
0x1c: {  	p1 =	slt.u32 s9, $0xF7A;
	s5 =	simm.s32 @!p2 $0x0  }
0x1d: {  	s5 =	simm.s32 @p1 $0x1;
	p0 =	seq.s32 s7, s2  }
0x1e: {  	s7 =	smul.u32 @!p0 $0xF7A, s2;
	p2 =	seq.s32 @!p0 s5, $0x0  }
0x1f: {  	s9 =	smul.u32 $0xF7A, s1;
	s8 =	simm.s32 @!p0 $0x1BF5;
	p2 =	por !p2, p0  }
0x20: {  	[sflag:s8] =	ssyncset.s32 @!p0 $0xFFFFF086;
	s6 =	sadd.s32 @!p0 s3, s7;
	s7 =	simm.s32 @!p0 $0x108  }
0x21: {  	s3 =	sadd.s32 s3, s9;
	s6 =	sadd.s32 @!p0 $0x88, s6;
	s7 =	simm.s32 @p2 $0x1082  }
0x22: {  	[simem:s7], [sflag:s8] =	dma.local @!p0 [hbm:s6], $0xF7A  }
0x23: {  	s9 =	sor.u32 $0xD0000000, s2;
	s6 =	simm.s32 $0x108;
	_ =	swait.ge @!p0 [sflag:s8], $0x0  }
0x24: {  	s3 =	sadd.s32 $0x88, s3;
	s6 =	simm.s32 @!p1 $0x1082;
	[sflag:s4] =	ssyncset.s32 $0xFFFFF086  }
0x25: {  	[simem:s6], [sflag:s4] =	dma.local [hbm:s3], $0xF7A  }
0x26: {  	[smem:$0x3F9E] =	sst s1;
	(tag) =	ssettag s2;
	_ =	strace s9  }
0x27: {  	s1 =	sld [smem:$0x3FAE]  }
0x28: {  	s2 =	sld [smem:$0x3FAF]  }
0x29: {  	s4 =	sld [smem:$0x3FB1]  }
0x2a: {  	p0 =	seq.s32 s5, $0x0;
	s5 =	sld [smem:$0x3FB2]  }
0x2b: {  	s6 =	sld [smem:$0x3FB3]  }
0x2c: {  	s7 =	sld [smem:$0x3FB4]  }
0x2d: {  	s3 =	simm.s32 $0x108;
	s8 =	sld [smem:$0x3FB5]  }
0x2e: {  	s3 =	simm.s32 @!p0 $0x1082;
	s9 =	sld [smem:$0x3FB6]  }
0x2f: {  	lr =	sadd.s32 s0, s3;
	s0 =	sld [smem:$0x3FAD]  }
0x30: {  	s3 =	sld [smem:$0x3FB0]  }
0x31: {  	[smem:$0x3FB9] =	sst s10  }
0x32: {  	s10 =	sld [smem:$0x3FB7];
	_ =	sdelay $0x3  }
0x33: {  	p0 =	seq.s32 s10, $0x1;
	s10 =	sld [smem:$0x3FB9];
	_ =	sdelay $0x3  }
0x34: {  	[smem:$0x3FB9] =	sst s10  }
0x35: {  	s10 =	sld [smem:$0x3FB8];
	_ =	sdelay $0x3  }
0x36: {  	p1 =	seq.s32 s10, $0x1;
	s10 =	sld [smem:$0x3FB9];
	_ =	sdelay $0x3  }
0x37: {  	[smem:$0x3FB9] =	sst s10  }
0x38: {  	s10 =	sld [smem:$0x3FBA]  }
0x39: {  	_ = 	snop;
	(pc) =	sbr.ind lr, $3  }
0x3a: {  	_ = 	snop  }
0x3b: {  	_ = 	snop  }
0x3c: {  	p2 =	seq.s32 s10, $0x1;
	s10 =	sld [smem:$0x3FB9]  }
0x3d: {  	_ =	shalt  }
0x3e: {  	_ =	shalt  }
0x3f: {  	_ =	shalt  }
0x40: {  	_ =	shalt  }
0x41: {  	_ =	shalt  }
0x42: {  	_ =	shalt  }
0x43: {  	_ =	shalt  }
0x44: {  	_ =	shalt  }
0x45: {  	_ =	shalt  }
0x46: {  	_ =	shalt  }
0x47: {  	_ =	shalt  }
0x48: {  	_ =	shalt  }
0x49: {  	_ =	shalt  }
0x4a: {  	_ =	shalt  }
0x4b: {  	_ =	shalt  }
0x4c: {  	_ =	shalt  }
0x4d: {  	_ =	shalt  }
0x4e: {  	_ =	shalt  }
0x4f: {  	_ =	shalt  }
0x50: {  	_ =	shalt  }
0x51: {  	_ =	shalt  }
0x52: {  	_ =	shalt  }
0x53: {  	_ =	shalt  }
0x54: {  	_ =	shalt  }
0x55: {  	_ =	shalt  }
0x56: {  	_ =	shalt  }
0x57: {  	_ =	shalt  }
0x58: {  	_ =	shalt  }
0x59: {  	_ =	shalt  }
0x5a: {  	_ =	shalt  }
0x5b: {  	_ =	shalt  }
0x5c: {  	_ =	shalt  }
0x5d: {  	_ =	shalt  }
0x5e: {  	_ =	shalt  }
0x5f: {  	_ =	shalt  }
0x60: {  	_ =	shalt  }
0x61: {  	_ =	shalt  }
0x62: {  	_ =	shalt  }
0x63: {  	_ =	shalt  }
0x64: {  	_ =	shalt  }
0x65: {  	_ =	shalt  }
0x66: {  	_ =	shalt  }
0x67: {  	_ =	shalt  }
0x68: {  	_ =	shalt  }
0x69: {  	_ =	shalt  }
0x6a: {  	_ =	shalt  }
0x6b: {  	_ =	shalt  }
0x6c: {  	_ =	shalt  }
0x6d: {  	_ =	shalt  }
0x6e: {  	_ =	shalt  }
0x6f: {  	_ =	shalt  }
0x70: {  	_ =	shalt  }
0x71: {  	_ =	shalt  }
0x72: {  	_ =	shalt  }
0x73: {  	_ =	shalt  }
0x74: {  	_ =	shalt  }
0x75: {  	_ =	shalt  }
0x76: {  	_ =	shalt  }
0x77: {  	_ =	shalt  }
0x78: {  	_ =	shalt  }
0x79: {  	_ =	shalt  }
0x7a: {  	_ =	shalt  }
0x7b: {  	_ =	shalt  }
0x7c: {  	_ =	shalt  }
0x7d: {  	_ =	shalt  }
0x7e: {  	_ =	shalt  }
0x7f: {  	_ =	shalt  }
0x80: {  	_ =	shalt  }
0x81: {  	_ =	shalt  }
0x82: {  	_ =	shalt  }
0x83: {  	_ =	shalt  }
0x84: {  	_ =	shalt  }
0x85: {  	_ =	shalt  }
0x86: {  	_ =	shalt  }
0x87: {  	_ =	shalt  }
.Lfunc_end0:
.L_simem_size_0:
called_computation_lowered:
.L_overlay_start_0:
0x88: {  	s2 =	sld [smem:$0x3FD9]  }
0x89: {  	s3 =	sld [smem:$0x3FFE];
	_ =	sdelay $0x1  }
0x8a: {  	s1 =	srdreg.scid  }
0x8b: {  	s0 =	sand.u32 $0x1, s1  }
0x8c: {  	s18 =	sshll.u32 s0, $0xA;
	s2 =	sadd.s32 s3, s2  }
0x8d: {  	s2 =	sadd.s32 s2, s18  }
0x8e: {  	[smem:$0x3FC5] =	sst s2  }
0x8f: {  	_ = 	snop  }
0x90: {  	s2 =	sld [smem:$0x3FC9]  }
0x91: {  	s19 =	sld [smem:$0x3FC8]  }
0x92: {  	s4 =	sld [smem:$0x3FC7]  }
0x93: {  	s5 =	sld [smem:$0x3FD0];
	(tm) =	ssettm $0x1  }
0x94: {  	s6 =	sld [smem:$0x3FFB];
	_ =	sdelay $0x3  }
0x95: {  	_ =	strace s6  }
0x96: {  	s6 =	sld [smem:$0x3FFC];
	_ =	sdelay $0x3  }
0x97: {  	_ =	strace s6  }
0x98: {  	s6 =	sld [smem:$0x3FFD];
	_ =	sdelay $0x3  }
0x99: {  	_ =	strace s6  }
0x9a: {  	_ =	strace $0x8FFFFFFF  }
0x9b: {  	s20 =	sld [smem:$0x3FDB];
	_ =	sdelay $0x1  }
0x9c: {  	s7 =	simm.s32 $_scs_section_size  }
0x9d: {  	s8 =	simm.s32 $_size__tile_overlayer_lowered;
	s9 =	simm.s32 $_tile_overlayer_lowered  }
0x9e: {  	s23 =	simm.s32 $0x1BFF;
	s22 =	sshll.u32 s9, $0x1;
	s6 =	sadd.s32 s7, s20  }
0x9f: {  	s10 =	simm.s32 $0x0;
	s21 =	sshll.u32 s8, $0x1;
	s8 =	sadd.s32 s22, s6  }
0xa0: {  	[timem:s10], [sflag:s23] =	dma.local [hbm:s8], s21  }
0xa1: {  	_ =	swait.ge [sflag:s23], s21  }
0xa2: {  	s7 =	ssub.s32 $0x0, s21;
	[sflag:s23] =	ssyncset.done $0x0  }
0xa3: {  	[sflag:s23] =	ssyncadd.s32 s7;
	_ =	sdelay $0x1  }
0xa4: {  	s24 =	simm.s32 $0x1B8B  }
0xa5: {  	_ =	swait.ge [sflag:s24], $0x1  }
0xa6: {  	[sflag:s24] =	ssyncset.done $0x0  }
0xa7: {  	s25 =	simm.s32 $0x1B8E;
	[sflag:s24] =	ssyncadd.s32 $0xFFFFFFFF  }
0xa8: {  	s26 =	simm.s32 $execute0_lowered;
	[smem:$0x3FD2] =	sst s25  }
0xa9: {  	s7 =	sshll.u32 s26, $0x1;
	_ =	strace $0x80000046;
	[dreg:$0x1] =	wrdreg $0xFFFFFFFF  }
0xaa: {  	s28 =	simm.s32 $_size_execute0_lowered;
	s6 =	sadd.s32 s6, s7;
	[dreg:$0x0] =	wrdreg $0x0  }
0xab: {  	s7 =	sshll.u32 s28, $0x1;
	[dreg:$0x2] =	wrdreg s6  }
0xac: {  	[dreg:$0x3] =	wrdreg s7  }
0xad: {  	[dreg:$0x4] =	wrdreg $0xC0  }
0xae: {  	_ =	task [dreg:s10], $0x5FFFF  }
0xaf: {  	[dreg:$0x1] =	wrdreg $0xFFFFFFFF  }
0xb0: {  	[dreg:$0x0] =	wrdreg $0x60  }
0xb1: {  	[dreg:$0x2] =	wrdreg s2  }
0xb2: {  	[dreg:$0x3] =	wrdreg s19  }
0xb3: {  	[dreg:$0x4] =	wrdreg s4  }
0xb4: {  	[dreg:$0x5] =	wrdreg s5  }
0xb5: {  	[dreg:$0x6] =	wrdreg $0x9  }
0xb6: {  	_ =	task.clear_ibuf [dreg:s10], $0x7FFFF;
	_ =	strace $0x90000046  }
0xb7: {  	s29 =	simm.s32 $0x9;
	_ =	strace $0x80000048  }
0xb8: {  	_ =	swait.ge [sflag:s29], $0x1  }
0xb9: {  	[sflag:s29] =	ssyncadd.s32 $0xFFFFFFFF  }
0xba: {  	_ =	strace $0x90000048  }
0xbb: {  	_ =	sfence  }
0xbc: {  	s30 =	sld [smem:$0x0];
	_ =	sdelay $0x2  }
0xbd: {  	s31 =	sshll.u32 s1, $0xD;
	s1 =	sshrl.u32 s1, $0x2  }
0xbe: {  	s3 =	sand.u32 $0x4000, s31;
	s1 =	sadd.s32 s1, s30  }
0xbf: {  	s0 =	sor.u32 s3, s0;
	s1 =	sshll.u32 s1, $0x11  }
0xc0: {  	s0 =	sor.u32 s1, s0  }
0xc1: {  	s0 =	sadd.s32 $0x8F2B, s0  }
0xc2: {  	[sflag:s0] =	ssyncadd.remote.s32 $0x1  }
0xc3: {  	_ =	sfence.sel $0xFFFF  }
0xc4: {  	[dreg:$0x0] =	wrdreg $0xFFFFFFFF;
	(pc) =	sbr.abs _section_cstart, $3  }
0xc5: {  	[dreg:$0x1] =	wrdreg $0xFFFFFFFF  }
0xc6: {  	_ =	task.clear_ibuf [dreg:s10], $0x2FFFF;
	_ =	strace $0x9FFFFFFF  }
0xc7: {  	(tm) =	ssettm $0x7FFFFFFF  }
tec
execute0_lowered:
.L_overlay_start_1:
0x0: {  	(tag) =	ssettag $0x1  }
0x1: {  	s19 =	rddreg [dreg:$0x0]  }
0x2: {  	s3 =	rddreg [dreg:$0x2];
	s0 =	srdreg.scid  }
0x3: {  	s4 =	rddreg [dreg:$0x3];
	s6 =	simm.s32 $0x0;
	s5 =	stileid.u32  }
0x4: {  	s29 =	simm.s32 $0x1;
	s0 =	sand.u32 $0x1, s0;
	[smem:$0x7FF] =	sst s6  }
0x5: {  	s28 =	sshll.u32 s5, $0x1;
	s30 =	sadd.s32 $0x10, s3;
	s10 =	sadd.s32 $0x20, s3  }
0x6: {  	s31 =	sshll.u32 s5, $0x6;
	s11 =	sadd.s32 $0x30, s3;
	s1 =	ssub.s32 $0x2, s0  }
.Ltmp0:
0x7: {  	s9 =	sor.u32 s0, s28;
	s0 =	sshll.u32 s0, $0x5;
	(pc) =	sbr.rel .LBB2_1-.Ltmp0, $4  }
0x8: {  	_ =	strace $0x80000047;
	s2 =	sshrl.u32 s1, $0x1;
	s0 =	sor.u32 s0, s31  }
0x9: {  	[dreg:$0x8] =	wrdreg s30;
	s1 =	ssub.s32 s1, s2;
	s0 =	sshrl.u32 s0, $0x5  }
0xa: {  	s12 =	sadd.s32 $0x40, s3;
	s1 =	smax.u32 s1, $0x1;
	[dreg:$0x9] =	wrdreg s0  }
0xb: {  	s13 =	sadd.s32 $0x50, s3;
	[dreg:$0x7] =	wrdreg s1;
	s1 =	simm.s32 $0x0  }
.LBB2_17:
0xc: {  	s1 =	sadd.s32 $0x1, s1;
	s0 =	rddreg [dreg:$0x7]  }
0xd: {  	p0 =	sne.s32 s1, s0  }
.Ltmp1:
0xe: {  	_ = 	snop;
	(pc) =	sbr.rel @!p0 .LBB2_18-.Ltmp1, $1  }
0xf: {  	_ =	sdelay $0x3  }
.LBB2_1:
0x10: {  	[dreg:$0xa] =	wrdreg s1  }
0x11: {  	s0 =	rddreg [dreg:$0x1];
	s1 =	simm.s32 $0x7  }
0x12: {  	[tilespmem:s6], [sflag:$0x7] =	stream.linear.gather [hbm4b:s0+s6], $0x10, $0x38;
	[tilespmem:$0x18080] =	vst v63  }
0x13: {  	_ =	swait.ge [sflag:s1], $0x10  }
0x14: {  	[sflag:s1] =	ssyncset.done $0x0  }
0x15: {  	[sflag:s1] =	ssyncadd.s32 $0xFFFFFFF0  }
0x16: {  	s2 =	simm.s32 $0x80;
	s0 =	rddreg [dreg:$0x2]  }
0x17: {  	[tilespmem:s2], [sflag:$0x1] =	stream.linear.gather [hbm4b:s0+s6], $0x80, $0x38;
	[tilespmem:$0x18080] =	vst v63  }
0x18: {  	s1 =	rddreg [dreg:$0x8];
	s2 =	simm.s32 $0x480  }
0x19: {  	[tilespmem:s2], [sflag:$0x1] =	stream.linear.gather [hbm4b:s1+s6], $0x80, $0x38;
	[tilespmem:$0x18080] =	vst v63  }
0x1a: {  	s3 =	simm.s32 $0x880  }
0x1b: {  	[tilespmem:s3], [sflag:$0x1] =	stream.linear.gather [hbm4b:s10+s6], $0x80, $0x38;
	[tilespmem:$0x18080] =	vst v63  }
0x1c: {  	s5 =	simm.s32 $0xC80  }
0x1d: {  	[tilespmem:s5], [sflag:$0x1] =	stream.linear.gather [hbm4b:s11+s6], $0x80, $0x38;
	[tilespmem:$0x18080] =	vst v63  }
0x1e: {  	s7 =	simm.s32 $0x1080  }
0x1f: {  	[tilespmem:s7], [sflag:$0x1] =	stream.linear.gather [hbm4b:s12+s6], $0x80, $0x38;
	[tilespmem:$0x18080] =	vst v63  }
0x20: {  	s8 =	simm.s32 $0x1480  }
0x21: {  	[tilespmem:s8], [sflag:$0x1] =	stream.linear.gather [hbm4b:s13+s6], $0x80, $0x38;
	[tilespmem:$0x18080] =	vst v63  }
0x22: {  	s14 =	simm.s32 $0x100  }
0x23: {  	[tilespmem:s14], [sflag:$0x1] =	stream.linear.gather [hbm4b:s0+s6], $0x80, $0x38;
	[tilespmem:$0x18080] =	vst v63  }
0x24: {  	s15 =	simm.s32 $0x500  }
0x25: {  	[tilespmem:s15], [sflag:$0x1] =	stream.linear.gather [hbm4b:s1+s6], $0x80, $0x38;
	[tilespmem:$0x18080] =	vst v63  }
0x26: {  	s16 =	simm.s32 $0x900  }
0x27: {  	[tilespmem:s16], [sflag:$0x1] =	stream.linear.gather [hbm4b:s10+s6], $0x80, $0x38;
	[tilespmem:$0x18080] =	vst v63  }
0x28: {  	s17 =	simm.s32 $0xD00  }
0x29: {  	[tilespmem:s17], [sflag:$0x1] =	stream.linear.gather [hbm4b:s11+s6], $0x80, $0x38;
	[tilespmem:$0x18080] =	vst v63  }
0x2a: {  	s18 =	simm.s32 $0x1100  }
0x2b: {  	[tilespmem:s18], [sflag:$0x1] =	stream.linear.gather [hbm4b:s12+s6], $0x80, $0x38;
	[tilespmem:$0x18080] =	vst v63  }
0x2c: {  	s20 =	simm.s32 $0x1500  }
0x2d: {  	[tilespmem:s20], [sflag:$0x1] =	stream.linear.gather [hbm4b:s13+s6], $0x80, $0x38;
	[tilespmem:$0x18080] =	vst v63  }
0x2e: {  	s21 =	simm.s32 $0x180  }
0x2f: {  	[tilespmem:s21], [sflag:$0x1] =	stream.linear.gather [hbm4b:s0+s6], $0x80, $0x38;
	[tilespmem:$0x18080] =	vst v63  }
0x30: {  	s22 =	simm.s32 $0x580  }
0x31: {  	[tilespmem:s22], [sflag:$0x1] =	stream.linear.gather [hbm4b:s1+s6], $0x80, $0x38;
	[tilespmem:$0x18080] =	vst v63  }
0x32: {  	s23 =	simm.s32 $0x980  }
0x33: {  	[tilespmem:s23], [sflag:$0x1] =	stream.linear.gather [hbm4b:s10+s6], $0x80, $0x38;
	[tilespmem:$0x18080] =	vst v63  }
0x34: {  	s24 =	simm.s32 $0xD80  }
0x35: {  	[tilespmem:s24], [sflag:$0x1] =	stream.linear.gather [hbm4b:s11+s6], $0x80, $0x38;
	[tilespmem:$0x18080] =	vst v63  }
0x36: {  	s25 =	simm.s32 $0x1180  }
0x37: {  	[tilespmem:s25], [sflag:$0x1] =	stream.linear.gather [hbm4b:s12+s6], $0x80, $0x38;
	[tilespmem:$0x18080] =	vst v63  }
0x38: {  	s26 =	simm.s32 $0x1580  }
0x39: {  	[tilespmem:s26], [sflag:$0x1] =	stream.linear.gather [hbm4b:s13+s6], $0x80, $0x38;
	[tilespmem:$0x18080] =	vst v63  }
0x3a: {  	s28 =	simm.s32 $0x200  }
0x3b: {  	[tilespmem:s28], [sflag:$0x1] =	stream.linear.gather [hbm4b:s0+s6], $0x80, $0x38;
	[tilespmem:$0x18080] =	vst v63  }
0x3c: {  	s30 =	simm.s32 $0x600  }
0x3d: {  	[tilespmem:s30], [sflag:$0x1] =	stream.linear.gather [hbm4b:s1+s6], $0x80, $0x38;
	[tilespmem:$0x18080] =	vst v63  }
0x3e: {  	s31 =	simm.s32 $0xA00  }
0x3f: {  	[tilespmem:s31], [sflag:$0x1] =	stream.linear.gather [hbm4b:s10+s6], $0x80, $0x38;
	[tilespmem:$0x18080] =	vst v63  }
0x40: {  	s3 =	simm.s32 $0xE00  }
0x41: {  	[tilespmem:s3], [sflag:$0x1] =	stream.linear.gather [hbm4b:s11+s6], $0x80, $0x38;
	[tilespmem:$0x18080] =	vst v63  }
0x42: {  	s5 =	simm.s32 $0x1200  }
0x43: {  	[tilespmem:s5], [sflag:$0x1] =	stream.linear.gather [hbm4b:s12+s6], $0x80, $0x38;
	[tilespmem:$0x18080] =	vst v63  }
0x44: {  	s7 =	simm.s32 $0x1600  }
0x45: {  	[tilespmem:s7], [sflag:$0x1] =	stream.linear.gather [hbm4b:s13+s6], $0x80, $0x38;
	[tilespmem:$0x18080] =	vst v63  }
0x46: {  	s8 =	simm.s32 $0x280  }
0x47: {  	[tilespmem:s8], [sflag:$0x1] =	stream.linear.gather [hbm4b:s0+s6], $0x80, $0x38;
	[tilespmem:$0x18080] =	vst v63  }
0x48: {  	s14 =	simm.s32 $0x680  }
0x49: {  	[tilespmem:s14], [sflag:$0x1] =	stream.linear.gather [hbm4b:s1+s6], $0x80, $0x38;
	[tilespmem:$0x18080] =	vst v63  }
0x4a: {  	s15 =	simm.s32 $0xA80  }
0x4b: {  	[tilespmem:s15], [sflag:$0x1] =	stream.linear.gather [hbm4b:s10+s6], $0x80, $0x38;
	[tilespmem:$0x18080] =	vst v63  }
0x4c: {  	s16 =	simm.s32 $0xE80  }
0x4d: {  	[tilespmem:s16], [sflag:$0x1] =	stream.linear.gather [hbm4b:s11+s6], $0x80, $0x38;
	[tilespmem:$0x18080] =	vst v63  }
0x4e: {  	s17 =	simm.s32 $0x1280  }
0x4f: {  	[tilespmem:s17], [sflag:$0x1] =	stream.linear.gather [hbm4b:s12+s6], $0x80, $0x38;
	[tilespmem:$0x18080] =	vst v63  }
0x50: {  	s18 =	simm.s32 $0x1680  }
0x51: {  	[tilespmem:s18], [sflag:$0x1] =	stream.linear.gather [hbm4b:s13+s6], $0x80, $0x38;
	[tilespmem:$0x18080] =	vst v63  }
0x52: {  	s20 =	simm.s32 $0x300  }
0x53: {  	[tilespmem:s20], [sflag:$0x1] =	stream.linear.gather [hbm4b:s0+s6], $0x80, $0x38;
	[tilespmem:$0x18080] =	vst v63  }
0x54: {  	s21 =	simm.s32 $0x700  }
0x55: {  	[tilespmem:s21], [sflag:$0x1] =	stream.linear.gather [hbm4b:s1+s6], $0x80, $0x38;
	[tilespmem:$0x18080] =	vst v63  }
0x56: {  	s22 =	simm.s32 $0xB00  }
0x57: {  	[tilespmem:s22], [sflag:$0x1] =	stream.linear.gather [hbm4b:s10+s6], $0x80, $0x38;
	[tilespmem:$0x18080] =	vst v63  }
0x58: {  	s23 =	simm.s32 $0xF00  }
0x59: {  	[tilespmem:s23], [sflag:$0x1] =	stream.linear.gather [hbm4b:s11+s6], $0x80, $0x38;
	[tilespmem:$0x18080] =	vst v63  }
0x5a: {  	s24 =	simm.s32 $0x1300  }
0x5b: {  	[tilespmem:s24], [sflag:$0x1] =	stream.linear.gather [hbm4b:s12+s6], $0x80, $0x38;
	[tilespmem:$0x18080] =	vst v63  }
0x5c: {  	s25 =	simm.s32 $0x1700  }
0x5d: {  	[tilespmem:s25], [sflag:$0x1] =	stream.linear.gather [hbm4b:s13+s6], $0x80, $0x38;
	[tilespmem:$0x18080] =	vst v63  }
0x5e: {  	s26 =	simm.s32 $0x380  }
0x5f: {  	[tilespmem:s26], [sflag:$0x1] =	stream.linear.gather [hbm4b:s0+s6], $0x80, $0x38;
	[tilespmem:$0x18080] =	vst v63  }
0x60: {  	s28 =	simm.s32 $0x780  }
0x61: {  	[tilespmem:s28], [sflag:$0x1] =	stream.linear.gather [hbm4b:s1+s6], $0x80, $0x38;
	[tilespmem:$0x18080] =	vst v63  }
0x62: {  	s30 =	simm.s32 $0xB80  }
0x63: {  	[tilespmem:s30], [sflag:$0x1] =	stream.linear.gather [hbm4b:s10+s6], $0x80, $0x38;
	[tilespmem:$0x18080] =	vst v63  }
0x64: {  	s31 =	simm.s32 $0xF80  }
0x65: {  	[tilespmem:s31], [sflag:$0x1] =	stream.linear.gather [hbm4b:s11+s6], $0x80, $0x38;
	[tilespmem:$0x18080] =	vst v63  }
0x66: {  	s3 =	simm.s32 $0x1380  }
0x67: {  	[tilespmem:s3], [sflag:$0x1] =	stream.linear.gather [hbm4b:s12+s6], $0x80, $0x38;
	[tilespmem:$0x18080] =	vst v63  }
0x68: {  	s5 =	simm.s32 $0x1780  }
0x69: {  	[tilespmem:s5], [sflag:$0x1] =	stream.linear.gather [hbm4b:s13+s6], $0x80, $0x38;
	[tilespmem:$0x18080] =	vst v63  }
0x6a: {  	s7 =	simm.s32 $0x400  }
0x6b: {  	[tilespmem:s7], [sflag:$0x1] =	stream.linear.gather [hbm4b:s0+s6], $0x80, $0x38;
	[tilespmem:$0x18080] =	vst v63  }
0x6c: {  	s8 =	simm.s32 $0x800  }
0x6d: {  	[tilespmem:s8], [sflag:$0x1] =	stream.linear.gather [hbm4b:s1+s6], $0x80, $0x38;
	[tilespmem:$0x18080] =	vst v63  }
0x6e: {  	s14 =	simm.s32 $0xC00  }
0x6f: {  	[tilespmem:s14], [sflag:$0x1] =	stream.linear.gather [hbm4b:s10+s6], $0x80, $0x38;
	[tilespmem:$0x18080] =	vst v63  }
0x70: {  	s15 =	simm.s32 $0x1000  }
0x71: {  	[tilespmem:s15], [sflag:$0x1] =	stream.linear.gather [hbm4b:s11+s6], $0x80, $0x38;
	[tilespmem:$0x18080] =	vst v63  }
0x72: {  	s16 =	simm.s32 $0x1400  }
0x73: {  	[tilespmem:s16], [sflag:$0x1] =	stream.linear.gather [hbm4b:s12+s6], $0x80, $0x38;
	[tilespmem:$0x18080] =	vst v63  }
0x74: {  	s17 =	simm.s32 $0x1800  }
0x75: {  	[tilespmem:s17], [sflag:$0x1] =	stream.linear.gather [hbm4b:s13+s6], $0x80, $0x38;
	[tilespmem:$0x18080] =	vst v63  }
0x76: {  	s18 =	simm.s32 $0x1880  }
0x77: {  	[tilespmem:s18], [sflag:$0x1] =	stream.linear.gather [hbm4b:s0+s6], $0x80, $0x38;
	[tilespmem:$0x18080] =	vst v63  }
0x78: {  	s20 =	simm.s32 $0x1C80  }
0x79: {  	[tilespmem:s20], [sflag:$0x1] =	stream.linear.gather [hbm4b:s1+s6], $0x80, $0x38;
	[tilespmem:$0x18080] =	vst v63  }
0x7a: {  	s21 =	simm.s32 $0x2080  }
0x7b: {  	[tilespmem:s21], [sflag:$0x1] =	stream.linear.gather [hbm4b:s10+s6], $0x80, $0x38;
	[tilespmem:$0x18080] =	vst v63  }
0x7c: {  	s22 =	simm.s32 $0x2480  }
0x7d: {  	[tilespmem:s22], [sflag:$0x1] =	stream.linear.gather [hbm4b:s11+s6], $0x80, $0x38;
	[tilespmem:$0x18080] =	vst v63  }
0x7e: {  	s23 =	simm.s32 $0x2880  }
0x7f: {  	[tilespmem:s23], [sflag:$0x1] =	stream.linear.gather [hbm4b:s12+s6], $0x80, $0x38;
	[tilespmem:$0x18080] =	vst v63  }
0x80: {  	s24 =	simm.s32 $0x2C80  }
0x81: {  	[tilespmem:s24], [sflag:$0x1] =	stream.linear.gather [hbm4b:s13+s6], $0x80, $0x38;
	[tilespmem:$0x18080] =	vst v63  }
0x82: {  	s25 =	simm.s32 $0x1900  }
0x83: {  	[tilespmem:s25], [sflag:$0x1] =	stream.linear.gather [hbm4b:s0+s6], $0x80, $0x38;
	[tilespmem:$0x18080] =	vst v63  }
0x84: {  	s26 =	simm.s32 $0x1D00  }
0x85: {  	[tilespmem:s26], [sflag:$0x1] =	stream.linear.gather [hbm4b:s1+s6], $0x80, $0x38;
	[tilespmem:$0x18080] =	vst v63  }
0x86: {  	s28 =	simm.s32 $0x2100  }
0x87: {  	[tilespmem:s28], [sflag:$0x1] =	stream.linear.gather [hbm4b:s10+s6], $0x80, $0x38;
	[tilespmem:$0x18080] =	vst v63  }
0x88: {  	s30 =	simm.s32 $0x2500  }
0x89: {  	[tilespmem:s30], [sflag:$0x1] =	stream.linear.gather [hbm4b:s11+s6], $0x80, $0x38;
	[tilespmem:$0x18080] =	vst v63  }
0x8a: {  	s31 =	simm.s32 $0x2900  }
0x8b: {  	[tilespmem:s31], [sflag:$0x1] =	stream.linear.gather [hbm4b:s12+s6], $0x80, $0x38;
	[tilespmem:$0x18080] =	vst v63  }
0x8c: {  	s3 =	simm.s32 $0x2D00  }
0x8d: {  	[tilespmem:s3], [sflag:$0x1] =	stream.linear.gather [hbm4b:s13+s6], $0x80, $0x38;
	[tilespmem:$0x18080] =	vst v63  }
0x8e: {  	s5 =	simm.s32 $0x1980  }
0x8f: {  	[tilespmem:s5], [sflag:$0x1] =	stream.linear.gather [hbm4b:s0+s6], $0x80, $0x38;
	[tilespmem:$0x18080] =	vst v63  }
0x90: {  	s7 =	simm.s32 $0x1D80  }
0x91: {  	[tilespmem:s7], [sflag:$0x1] =	stream.linear.gather [hbm4b:s1+s6], $0x80, $0x38;
	[tilespmem:$0x18080] =	vst v63  }
0x92: {  	s8 =	simm.s32 $0x2180  }
0x93: {  	[tilespmem:s8], [sflag:$0x1] =	stream.linear.gather [hbm4b:s10+s6], $0x80, $0x38;
	[tilespmem:$0x18080] =	vst v63  }
0x94: {  	s14 =	simm.s32 $0x2580  }
0x95: {  	[tilespmem:s14], [sflag:$0x1] =	stream.linear.gather [hbm4b:s11+s6], $0x80, $0x38;
	[tilespmem:$0x18080] =	vst v63  }
0x96: {  	s15 =	simm.s32 $0x2980  }
0x97: {  	[tilespmem:s15], [sflag:$0x1] =	stream.linear.gather [hbm4b:s12+s6], $0x80, $0x38;
	[tilespmem:$0x18080] =	vst v63  }
0x98: {  	s16 =	simm.s32 $0x2D80  }
0x99: {  	[tilespmem:s16], [sflag:$0x1] =	stream.linear.gather [hbm4b:s13+s6], $0x80, $0x38;
	[tilespmem:$0x18080] =	vst v63  }
0x9a: {  	s17 =	simm.s32 $0x1A00  }
0x9b: {  	[tilespmem:s17], [sflag:$0x1] =	stream.linear.gather [hbm4b:s0+s6], $0x80, $0x38;
	[tilespmem:$0x18080] =	vst v63  }
0x9c: {  	s18 =	simm.s32 $0x1E00  }
0x9d: {  	[tilespmem:s18], [sflag:$0x1] =	stream.linear.gather [hbm4b:s1+s6], $0x80, $0x38;
	[tilespmem:$0x18080] =	vst v63  }
0x9e: {  	s20 =	simm.s32 $0x2200  }
0x9f: {  	[tilespmem:s20], [sflag:$0x1] =	stream.linear.gather [hbm4b:s10+s6], $0x80, $0x38;
	[tilespmem:$0x18080] =	vst v63  }
0xa0: {  	s21 =	simm.s32 $0x2600  }
0xa1: {  	[tilespmem:s21], [sflag:$0x1] =	stream.linear.gather [hbm4b:s11+s6], $0x80, $0x38;
	[tilespmem:$0x18080] =	vst v63  }
0xa2: {  	s22 =	simm.s32 $0x2A00  }
0xa3: {  	[tilespmem:s22], [sflag:$0x1] =	stream.linear.gather [hbm4b:s12+s6], $0x80, $0x38;
	[tilespmem:$0x18080] =	vst v63  }
0xa4: {  	s23 =	simm.s32 $0x2E00  }
0xa5: {  	[tilespmem:s23], [sflag:$0x1] =	stream.linear.gather [hbm4b:s13+s6], $0x80, $0x38;
	[tilespmem:$0x18080] =	vst v63  }
0xa6: {  	s24 =	simm.s32 $0x1A80  }
0xa7: {  	[tilespmem:s24], [sflag:$0x1] =	stream.linear.gather [hbm4b:s0+s6], $0x80, $0x38;
	[tilespmem:$0x18080] =	vst v63  }
0xa8: {  	s25 =	simm.s32 $0x1E80  }
0xa9: {  	[tilespmem:s25], [sflag:$0x1] =	stream.linear.gather [hbm4b:s1+s6], $0x80, $0x38;
	[tilespmem:$0x18080] =	vst v63  }
0xaa: {  	s26 =	simm.s32 $0x2280  }
0xab: {  	[tilespmem:s26], [sflag:$0x1] =	stream.linear.gather [hbm4b:s10+s6], $0x80, $0x38;
	[tilespmem:$0x18080] =	vst v63  }
0xac: {  	s28 =	simm.s32 $0x2680  }
0xad: {  	[tilespmem:s28], [sflag:$0x1] =	stream.linear.gather [hbm4b:s11+s6], $0x80, $0x38;
	[tilespmem:$0x18080] =	vst v63  }
0xae: {  	s30 =	simm.s32 $0x2A80  }
0xaf: {  	[tilespmem:s30], [sflag:$0x1] =	stream.linear.gather [hbm4b:s12+s6], $0x80, $0x38;
	[tilespmem:$0x18080] =	vst v63  }
0xb0: {  	s31 =	simm.s32 $0x2E80  }
0xb1: {  	[tilespmem:s31], [sflag:$0x1] =	stream.linear.gather [hbm4b:s13+s6], $0x80, $0x38;
	[tilespmem:$0x18080] =	vst v63  }
0xb2: {  	s3 =	simm.s32 $0x1B00  }
0xb3: {  	[tilespmem:s3], [sflag:$0x1] =	stream.linear.gather [hbm4b:s0+s6], $0x80, $0x38;
	[tilespmem:$0x18080] =	vst v63  }
0xb4: {  	s5 =	simm.s32 $0x1F00  }
0xb5: {  	[tilespmem:s5], [sflag:$0x1] =	stream.linear.gather [hbm4b:s1+s6], $0x80, $0x38;
	[tilespmem:$0x18080] =	vst v63  }
0xb6: {  	s7 =	simm.s32 $0x2300  }
0xb7: {  	[tilespmem:s7], [sflag:$0x1] =	stream.linear.gather [hbm4b:s10+s6], $0x80, $0x38;
	[tilespmem:$0x18080] =	vst v63  }
0xb8: {  	s8 =	simm.s32 $0x2700  }
0xb9: {  	[tilespmem:s8], [sflag:$0x1] =	stream.linear.gather [hbm4b:s11+s6], $0x80, $0x38;
	[tilespmem:$0x18080] =	vst v63  }
0xba: {  	s14 =	simm.s32 $0x2B00  }
0xbb: {  	[tilespmem:s14], [sflag:$0x1] =	stream.linear.gather [hbm4b:s12+s6], $0x80, $0x38;
	[tilespmem:$0x18080] =	vst v63  }
0xbc: {  	s15 =	simm.s32 $0x2F00  }
0xbd: {  	[tilespmem:s15], [sflag:$0x1] =	stream.linear.gather [hbm4b:s13+s6], $0x80, $0x38;
	[tilespmem:$0x18080] =	vst v63  }
0xbe: {  	s16 =	simm.s32 $0x1B80  }
0xbf: {  	[tilespmem:s16], [sflag:$0x1] =	stream.linear.gather [hbm4b:s0+s6], $0x80, $0x38;
	[tilespmem:$0x18080] =	vst v63  }
0xc0: {  	s17 =	simm.s32 $0x1F80  }
0xc1: {  	[tilespmem:s17], [sflag:$0x1] =	stream.linear.gather [hbm4b:s1+s6], $0x80, $0x38;
	[tilespmem:$0x18080] =	vst v63  }
0xc2: {  	s18 =	simm.s32 $0x2380  }
0xc3: {  	[tilespmem:s18], [sflag:$0x1] =	stream.linear.gather [hbm4b:s10+s6], $0x80, $0x38;
	[tilespmem:$0x18080] =	vst v63  }
0xc4: {  	s20 =	simm.s32 $0x2780  }
0xc5: {  	[tilespmem:s20], [sflag:$0x1] =	stream.linear.gather [hbm4b:s11+s6], $0x80, $0x38;
	[tilespmem:$0x18080] =	vst v63  }
0xc6: {  	s21 =	simm.s32 $0x2B80  }
0xc7: {  	[tilespmem:s21], [sflag:$0x1] =	stream.linear.gather [hbm4b:s12+s6], $0x80, $0x38;
	[tilespmem:$0x18080] =	vst v63  }
0xc8: {  	s22 =	simm.s32 $0x2F80  }
0xc9: {  	[tilespmem:s22], [sflag:$0x1] =	stream.linear.gather [hbm4b:s13+s6], $0x80, $0x38;
	[tilespmem:$0x18080] =	vst v63  }
0xca: {  	s23 =	simm.s32 $0x1C00  }
0xcb: {  	[tilespmem:s23], [sflag:$0x1] =	stream.linear.gather [hbm4b:s0+s6], $0x80, $0x38;
	[tilespmem:$0x18080] =	vst v63  }
0xcc: {  	s24 =	simm.s32 $0x2000  }
0xcd: {  	[tilespmem:s24], [sflag:$0x1] =	stream.linear.gather [hbm4b:s1+s6], $0x80, $0x38;
	[tilespmem:$0x18080] =	vst v63  }
0xce: {  	s25 =	simm.s32 $0x2400  }
0xcf: {  	[tilespmem:s25], [sflag:$0x1] =	stream.linear.gather [hbm4b:s10+s6], $0x80, $0x38;
	[tilespmem:$0x18080] =	vst v63  }
0xd0: {  	s26 =	simm.s32 $0x2800  }
0xd1: {  	[tilespmem:s26], [sflag:$0x1] =	stream.linear.gather [hbm4b:s11+s6], $0x80, $0x38;
	[tilespmem:$0x18080] =	vst v63  }
0xd2: {  	s28 =	simm.s32 $0x2C00  }
0xd3: {  	[tilespmem:s28], [sflag:$0x1] =	stream.linear.gather [hbm4b:s12+s6], $0x80, $0x38;
	[tilespmem:$0x18080] =	vst v63  }
0xd4: {  	s30 =	simm.s32 $0x3000  }
0xd5: {  	[tilespmem:s30], [sflag:$0x1] =	stream.linear.gather [hbm4b:s13+s6], $0x80, $0x38;
	[tilespmem:$0x18080] =	vst v63  }
0xd6: {  	s31 =	simm.s32 $0x3080  }
0xd7: {  	[tilespmem:s31], [sflag:$0x1] =	stream.linear.gather [hbm4b:s0+s6], $0x80, $0x38;
	[tilespmem:$0x18080] =	vst v63  }
0xd8: {  	s3 =	simm.s32 $0x3480  }
0xd9: {  	[tilespmem:s3], [sflag:$0x1] =	stream.linear.gather [hbm4b:s1+s6], $0x80, $0x38;
	[tilespmem:$0x18080] =	vst v63  }
0xda: {  	s5 =	simm.s32 $0x3880  }
0xdb: {  	[tilespmem:s5], [sflag:$0x1] =	stream.linear.gather [hbm4b:s10+s6], $0x80, $0x38;
	[tilespmem:$0x18080] =	vst v63  }
0xdc: {  	s7 =	simm.s32 $0x3C80  }
0xdd: {  	[tilespmem:s7], [sflag:$0x1] =	stream.linear.gather [hbm4b:s11+s6], $0x80, $0x38;
	[tilespmem:$0x18080] =	vst v63  }
0xde: {  	s8 =	simm.s32 $0x4080  }
0xdf: {  	[tilespmem:s8], [sflag:$0x1] =	stream.linear.gather [hbm4b:s12+s6], $0x80, $0x38;
	[tilespmem:$0x18080] =	vst v63  }
0xe0: {  	s14 =	simm.s32 $0x4480  }
0xe1: {  	[tilespmem:s14], [sflag:$0x1] =	stream.linear.gather [hbm4b:s13+s6], $0x80, $0x38;
	[tilespmem:$0x18080] =	vst v63  }
0xe2: {  	s15 =	simm.s32 $0x3100  }
0xe3: {  	[tilespmem:s15], [sflag:$0x1] =	stream.linear.gather [hbm4b:s0+s6], $0x80, $0x38;
	[tilespmem:$0x18080] =	vst v63  }
0xe4: {  	s16 =	simm.s32 $0x3500  }
0xe5: {  	[tilespmem:s16], [sflag:$0x1] =	stream.linear.gather [hbm4b:s1+s6], $0x80, $0x38;
	[tilespmem:$0x18080] =	vst v63  }
0xe6: {  	s17 =	simm.s32 $0x3900  }
0xe7: {  	[tilespmem:s17], [sflag:$0x1] =	stream.linear.gather [hbm4b:s10+s6], $0x80, $0x38;
	[tilespmem:$0x18080] =	vst v63  }
0xe8: {  	s18 =	simm.s32 $0x3D00  }
0xe9: {  	[tilespmem:s18], [sflag:$0x1] =	stream.linear.gather [hbm4b:s11+s6], $0x80, $0x38;
	[tilespmem:$0x18080] =	vst v63  }
0xea: {  	s20 =	simm.s32 $0x4100  }
0xeb: {  	[tilespmem:s20], [sflag:$0x1] =	stream.linear.gather [hbm4b:s12+s6], $0x80, $0x38;
	[tilespmem:$0x18080] =	vst v63  }
0xec: {  	s21 =	simm.s32 $0x4500  }
0xed: {  	[tilespmem:s21], [sflag:$0x1] =	stream.linear.gather [hbm4b:s13+s6], $0x80, $0x38;
	[tilespmem:$0x18080] =	vst v63  }
0xee: {  	s22 =	simm.s32 $0x3180  }
0xef: {  	[tilespmem:s22], [sflag:$0x1] =	stream.linear.gather [hbm4b:s0+s6], $0x80, $0x38;
	[tilespmem:$0x18080] =	vst v63  }
0xf0: {  	s23 =	simm.s32 $0x3580  }
0xf1: {  	[tilespmem:s23], [sflag:$0x1] =	stream.linear.gather [hbm4b:s1+s6], $0x80, $0x38;
	[tilespmem:$0x18080] =	vst v63  }
0xf2: {  	s24 =	simm.s32 $0x3980  }
0xf3: {  	[tilespmem:s24], [sflag:$0x1] =	stream.linear.gather [hbm4b:s10+s6], $0x80, $0x38;
	[tilespmem:$0x18080] =	vst v63  }
0xf4: {  	s25 =	simm.s32 $0x3D80  }
0xf5: {  	[tilespmem:s25], [sflag:$0x1] =	stream.linear.gather [hbm4b:s11+s6], $0x80, $0x38;
	[tilespmem:$0x18080] =	vst v63  }
0xf6: {  	s26 =	simm.s32 $0x4180  }
0xf7: {  	[tilespmem:s26], [sflag:$0x1] =	stream.linear.gather [hbm4b:s12+s6], $0x80, $0x38;
	[tilespmem:$0x18080] =	vst v63  }
0xf8: {  	s28 =	simm.s32 $0x4580  }
0xf9: {  	[tilespmem:s28], [sflag:$0x1] =	stream.linear.gather [hbm4b:s13+s6], $0x80, $0x38;
	[tilespmem:$0x18080] =	vst v63  }
0xfa: {  	s30 =	simm.s32 $0x3200  }
0xfb: {  	[tilespmem:s30], [sflag:$0x1] =	stream.linear.gather [hbm4b:s0+s6], $0x80, $0x38;
	[tilespmem:$0x18080] =	vst v63  }
0xfc: {  	s31 =	simm.s32 $0x3600  }
0xfd: {  	[tilespmem:s31], [sflag:$0x1] =	stream.linear.gather [hbm4b:s1+s6], $0x80, $0x38;
	[tilespmem:$0x18080] =	vst v63  }
0xfe: {  	s3 =	simm.s32 $0x3A00  }
0xff: {  	[tilespmem:s3], [sflag:$0x1] =	stream.linear.gather [hbm4b:s10+s6], $0x80, $0x38;
	[tilespmem:$0x18080] =	vst v63  }
0x100: {  	s5 =	simm.s32 $0x3E00  }
0x101: {  	[tilespmem:s5], [sflag:$0x1] =	stream.linear.gather [hbm4b:s11+s6], $0x80, $0x38;
	[tilespmem:$0x18080] =	vst v63  }
0x102: {  	s7 =	simm.s32 $0x4200  }
0x103: {  	[tilespmem:s7], [sflag:$0x1] =	stream.linear.gather [hbm4b:s12+s6], $0x80, $0x38;
	[tilespmem:$0x18080] =	vst v63  }
0x104: {  	s8 =	simm.s32 $0x4600  }
0x105: {  	[tilespmem:s8], [sflag:$0x1] =	stream.linear.gather [hbm4b:s13+s6], $0x80, $0x38;
	[tilespmem:$0x18080] =	vst v63  }
0x106: {  	s14 =	simm.s32 $0x3280  }
0x107: {  	[tilespmem:s14], [sflag:$0x1] =	stream.linear.gather [hbm4b:s0+s6], $0x80, $0x38;
	[tilespmem:$0x18080] =	vst v63  }
0x108: {  	s15 =	simm.s32 $0x3680  }
0x109: {  	[tilespmem:s15], [sflag:$0x1] =	stream.linear.gather [hbm4b:s1+s6], $0x80, $0x38;
	[tilespmem:$0x18080] =	vst v63  }
0x10a: {  	s16 =	simm.s32 $0x3A80  }
0x10b: {  	[tilespmem:s16], [sflag:$0x1] =	stream.linear.gather [hbm4b:s10+s6], $0x80, $0x38;
	[tilespmem:$0x18080] =	vst v63  }
0x10c: {  	s17 =	simm.s32 $0x3E80  }
0x10d: {  	[tilespmem:s17], [sflag:$0x1] =	stream.linear.gather [hbm4b:s11+s6], $0x80, $0x38;
	[tilespmem:$0x18080] =	vst v63  }
0x10e: {  	s18 =	simm.s32 $0x4280  }
0x10f: {  	[tilespmem:s18], [sflag:$0x1] =	stream.linear.gather [hbm4b:s12+s6], $0x80, $0x38;
	[tilespmem:$0x18080] =	vst v63  }
0x110: {  	s20 =	simm.s32 $0x4680  }
0x111: {  	[tilespmem:s20], [sflag:$0x1] =	stream.linear.gather [hbm4b:s13+s6], $0x80, $0x38;
	[tilespmem:$0x18080] =	vst v63  }
0x112: {  	s21 =	simm.s32 $0x3300  }
0x113: {  	[tilespmem:s21], [sflag:$0x1] =	stream.linear.gather [hbm4b:s0+s6], $0x80, $0x38;
	[tilespmem:$0x18080] =	vst v63  }
0x114: {  	s22 =	simm.s32 $0x3700  }
0x115: {  	[tilespmem:s22], [sflag:$0x1] =	stream.linear.gather [hbm4b:s1+s6], $0x80, $0x38;
	[tilespmem:$0x18080] =	vst v63  }
0x116: {  	s23 =	simm.s32 $0x3B00  }
0x117: {  	[tilespmem:s23], [sflag:$0x1] =	stream.linear.gather [hbm4b:s10+s6], $0x80, $0x38;
	[tilespmem:$0x18080] =	vst v63  }
0x118: {  	s24 =	simm.s32 $0x3F00  }
0x119: {  	[tilespmem:s24], [sflag:$0x1] =	stream.linear.gather [hbm4b:s11+s6], $0x80, $0x38;
	[tilespmem:$0x18080] =	vst v63  }
0x11a: {  	s25 =	simm.s32 $0x4300  }
0x11b: {  	[tilespmem:s25], [sflag:$0x1] =	stream.linear.gather [hbm4b:s12+s6], $0x80, $0x38;
	[tilespmem:$0x18080] =	vst v63  }
0x11c: {  	s26 =	simm.s32 $0x4700  }
0x11d: {  	[tilespmem:s26], [sflag:$0x1] =	stream.linear.gather [hbm4b:s13+s6], $0x80, $0x38;
	[tilespmem:$0x18080] =	vst v63  }
0x11e: {  	s28 =	simm.s32 $0x3380  }
0x11f: {  	[tilespmem:s28], [sflag:$0x1] =	stream.linear.gather [hbm4b:s0+s6], $0x80, $0x38;
	[tilespmem:$0x18080] =	vst v63  }
0x120: {  	s30 =	simm.s32 $0x3780  }
0x121: {  	[tilespmem:s30], [sflag:$0x1] =	stream.linear.gather [hbm4b:s1+s6], $0x80, $0x38;
	[tilespmem:$0x18080] =	vst v63  }
0x122: {  	s31 =	simm.s32 $0x3B80  }
0x123: {  	[tilespmem:s31], [sflag:$0x1] =	stream.linear.gather [hbm4b:s10+s6], $0x80, $0x38;
	[tilespmem:$0x18080] =	vst v63  }
0x124: {  	s3 =	simm.s32 $0x3F80  }
0x125: {  	[tilespmem:s3], [sflag:$0x1] =	stream.linear.gather [hbm4b:s11+s6], $0x80, $0x38;
	[tilespmem:$0x18080] =	vst v63  }
0x126: {  	s5 =	simm.s32 $0x4380  }
0x127: {  	[tilespmem:s5], [sflag:$0x1] =	stream.linear.gather [hbm4b:s12+s6], $0x80, $0x38;
	[tilespmem:$0x18080] =	vst v63  }
0x128: {  	s7 =	simm.s32 $0x4780  }
0x129: {  	[tilespmem:s7], [sflag:$0x1] =	stream.linear.gather [hbm4b:s13+s6], $0x80, $0x38;
	[tilespmem:$0x18080] =	vst v63  }
0x12a: {  	s8 =	simm.s32 $0x3400  }
0x12b: {  	[tilespmem:s8], [sflag:$0x1] =	stream.linear.gather [hbm4b:s0+s6], $0x80, $0x38;
	[tilespmem:$0x18080] =	vst v63  }
0x12c: {  	s14 =	simm.s32 $0x3800  }
0x12d: {  	[tilespmem:s14], [sflag:$0x1] =	stream.linear.gather [hbm4b:s1+s6], $0x80, $0x38;
	[tilespmem:$0x18080] =	vst v63  }
0x12e: {  	s15 =	simm.s32 $0x3C00  }
0x12f: {  	[tilespmem:s15], [sflag:$0x1] =	stream.linear.gather [hbm4b:s10+s6], $0x80, $0x38;
	[tilespmem:$0x18080] =	vst v63  }
0x130: {  	s16 =	simm.s32 $0x4000  }
0x131: {  	[tilespmem:s16], [sflag:$0x1] =	stream.linear.gather [hbm4b:s11+s6], $0x80, $0x38;
	[tilespmem:$0x18080] =	vst v63  }
0x132: {  	s17 =	simm.s32 $0x4400  }
0x133: {  	[tilespmem:s17], [sflag:$0x1] =	stream.linear.gather [hbm4b:s12+s6], $0x80, $0x38;
	[tilespmem:$0x18080] =	vst v63  }
0x134: {  	s18 =	simm.s32 $0x4800  }
0x135: {  	[tilespmem:s18], [sflag:$0x1] =	stream.linear.gather [hbm4b:s13+s6], $0x80, $0x38;
	[tilespmem:$0x18080] =	vst v63  }
0x136: {  	s20 =	simm.s32 $0x4880  }
0x137: {  	[tilespmem:s20], [sflag:$0x1] =	stream.linear.gather [hbm4b:s0+s6], $0x80, $0x38;
	[tilespmem:$0x18080] =	vst v63  }
0x138: {  	s21 =	simm.s32 $0x4C80  }
0x139: {  	[tilespmem:s21], [sflag:$0x1] =	stream.linear.gather [hbm4b:s1+s6], $0x80, $0x38;
	[tilespmem:$0x18080] =	vst v63  }
0x13a: {  	s22 =	simm.s32 $0x5080  }
0x13b: {  	[tilespmem:s22], [sflag:$0x1] =	stream.linear.gather [hbm4b:s10+s6], $0x80, $0x38;
	[tilespmem:$0x18080] =	vst v63  }
0x13c: {  	s23 =	simm.s32 $0x5480  }
0x13d: {  	[tilespmem:s23], [sflag:$0x1] =	stream.linear.gather [hbm4b:s11+s6], $0x80, $0x38;
	[tilespmem:$0x18080] =	vst v63  }
0x13e: {  	s24 =	simm.s32 $0x5880  }
0x13f: {  	[tilespmem:s24], [sflag:$0x1] =	stream.linear.gather [hbm4b:s12+s6], $0x80, $0x38;
	[tilespmem:$0x18080] =	vst v63  }
0x140: {  	s25 =	simm.s32 $0x5C80  }
0x141: {  	[tilespmem:s25], [sflag:$0x1] =	stream.linear.gather [hbm4b:s13+s6], $0x80, $0x38;
	[tilespmem:$0x18080] =	vst v63  }
0x142: {  	s26 =	simm.s32 $0x4900  }
0x143: {  	[tilespmem:s26], [sflag:$0x1] =	stream.linear.gather [hbm4b:s0+s6], $0x80, $0x38;
	[tilespmem:$0x18080] =	vst v63  }
0x144: {  	s28 =	simm.s32 $0x4D00  }
0x145: {  	[tilespmem:s28], [sflag:$0x1] =	stream.linear.gather [hbm4b:s1+s6], $0x80, $0x38;
	[tilespmem:$0x18080] =	vst v63  }
0x146: {  	s30 =	simm.s32 $0x5100  }
0x147: {  	[tilespmem:s30], [sflag:$0x1] =	stream.linear.gather [hbm4b:s10+s6], $0x80, $0x38;
	[tilespmem:$0x18080] =	vst v63  }
0x148: {  	s31 =	simm.s32 $0x5500  }
0x149: {  	[tilespmem:s31], [sflag:$0x1] =	stream.linear.gather [hbm4b:s11+s6], $0x80, $0x38;
	[tilespmem:$0x18080] =	vst v63  }
0x14a: {  	s3 =	simm.s32 $0x5900  }
0x14b: {  	[tilespmem:s3], [sflag:$0x1] =	stream.linear.gather [hbm4b:s12+s6], $0x80, $0x38;
	[tilespmem:$0x18080] =	vst v63  }
0x14c: {  	s5 =	simm.s32 $0x5D00  }
0x14d: {  	[tilespmem:s5], [sflag:$0x1] =	stream.linear.gather [hbm4b:s13+s6], $0x80, $0x38;
	[tilespmem:$0x18080] =	vst v63  }
0x14e: {  	s7 =	simm.s32 $0x4980  }
0x14f: {  	[tilespmem:s7], [sflag:$0x1] =	stream.linear.gather [hbm4b:s0+s6], $0x80, $0x38;
	[tilespmem:$0x18080] =	vst v63  }
0x150: {  	s8 =	simm.s32 $0x4D80  }
0x151: {  	[tilespmem:s8], [sflag:$0x1] =	stream.linear.gather [hbm4b:s1+s6], $0x80, $0x38;
	[tilespmem:$0x18080] =	vst v63  }
0x152: {  	s14 =	simm.s32 $0x5180  }
0x153: {  	[tilespmem:s14], [sflag:$0x1] =	stream.linear.gather [hbm4b:s10+s6], $0x80, $0x38;
	[tilespmem:$0x18080] =	vst v63  }
0x154: {  	s15 =	simm.s32 $0x5580  }
0x155: {  	[tilespmem:s15], [sflag:$0x1] =	stream.linear.gather [hbm4b:s11+s6], $0x80, $0x38;
	[tilespmem:$0x18080] =	vst v63  }
0x156: {  	s16 =	simm.s32 $0x5980  }
0x157: {  	[tilespmem:s16], [sflag:$0x1] =	stream.linear.gather [hbm4b:s12+s6], $0x80, $0x38;
	[tilespmem:$0x18080] =	vst v63  }
0x158: {  	s17 =	simm.s32 $0x5D80  }
0x159: {  	[tilespmem:s17], [sflag:$0x1] =	stream.linear.gather [hbm4b:s13+s6], $0x80, $0x38;
	[tilespmem:$0x18080] =	vst v63  }
0x15a: {  	s18 =	simm.s32 $0x4A00  }
0x15b: {  	[tilespmem:s18], [sflag:$0x1] =	stream.linear.gather [hbm4b:s0+s6], $0x80, $0x38;
	[tilespmem:$0x18080] =	vst v63  }
0x15c: {  	s20 =	simm.s32 $0x4E00  }
0x15d: {  	[tilespmem:s20], [sflag:$0x1] =	stream.linear.gather [hbm4b:s1+s6], $0x80, $0x38;
	[tilespmem:$0x18080] =	vst v63  }
0x15e: {  	s21 =	simm.s32 $0x5200  }
0x15f: {  	[tilespmem:s21], [sflag:$0x1] =	stream.linear.gather [hbm4b:s10+s6], $0x80, $0x38;
	[tilespmem:$0x18080] =	vst v63  }
0x160: {  	s22 =	simm.s32 $0x5600  }
0x161: {  	[tilespmem:s22], [sflag:$0x1] =	stream.linear.gather [hbm4b:s11+s6], $0x80, $0x38;
	[tilespmem:$0x18080] =	vst v63  }
0x162: {  	s23 =	simm.s32 $0x5A00  }
0x163: {  	[tilespmem:s23], [sflag:$0x1] =	stream.linear.gather [hbm4b:s12+s6], $0x80, $0x38;
	[tilespmem:$0x18080] =	vst v63  }
0x164: {  	s24 =	simm.s32 $0x5E00  }
0x165: {  	[tilespmem:s24], [sflag:$0x1] =	stream.linear.gather [hbm4b:s13+s6], $0x80, $0x38;
	[tilespmem:$0x18080] =	vst v63  }
0x166: {  	s25 =	simm.s32 $0x4A80  }
0x167: {  	[tilespmem:s25], [sflag:$0x1] =	stream.linear.gather [hbm4b:s0+s6], $0x80, $0x38;
	[tilespmem:$0x18080] =	vst v63  }
0x168: {  	s26 =	simm.s32 $0x4E80  }
0x169: {  	[tilespmem:s26], [sflag:$0x1] =	stream.linear.gather [hbm4b:s1+s6], $0x80, $0x38;
	[tilespmem:$0x18080] =	vst v63  }
0x16a: {  	s28 =	simm.s32 $0x5280  }
0x16b: {  	[tilespmem:s28], [sflag:$0x1] =	stream.linear.gather [hbm4b:s10+s6], $0x80, $0x38;
	[tilespmem:$0x18080] =	vst v63  }
0x16c: {  	s30 =	simm.s32 $0x5680  }
0x16d: {  	[tilespmem:s30], [sflag:$0x1] =	stream.linear.gather [hbm4b:s11+s6], $0x80, $0x38;
	[tilespmem:$0x18080] =	vst v63  }
0x16e: {  	s31 =	simm.s32 $0x5A80  }
0x16f: {  	[tilespmem:s31], [sflag:$0x1] =	stream.linear.gather [hbm4b:s12+s6], $0x80, $0x38;
	[tilespmem:$0x18080] =	vst v63  }
0x170: {  	s3 =	simm.s32 $0x5E80  }
0x171: {  	[tilespmem:s3], [sflag:$0x1] =	stream.linear.gather [hbm4b:s13+s6], $0x80, $0x38;
	[tilespmem:$0x18080] =	vst v63  }
0x172: {  	s5 =	simm.s32 $0x4B00  }
0x173: {  	[tilespmem:s5], [sflag:$0x1] =	stream.linear.gather [hbm4b:s0+s6], $0x80, $0x38;
	[tilespmem:$0x18080] =	vst v63  }
0x174: {  	s7 =	simm.s32 $0x4F00  }
0x175: {  	[tilespmem:s7], [sflag:$0x1] =	stream.linear.gather [hbm4b:s1+s6], $0x80, $0x38;
	[tilespmem:$0x18080] =	vst v63  }
0x176: {  	s8 =	simm.s32 $0x5300  }
0x177: {  	[tilespmem:s8], [sflag:$0x1] =	stream.linear.gather [hbm4b:s10+s6], $0x80, $0x38;
	[tilespmem:$0x18080] =	vst v63  }
0x178: {  	s14 =	simm.s32 $0x5700  }
0x179: {  	[tilespmem:s14], [sflag:$0x1] =	stream.linear.gather [hbm4b:s11+s6], $0x80, $0x38;
	[tilespmem:$0x18080] =	vst v63  }
0x17a: {  	s15 =	simm.s32 $0x5B00  }
0x17b: {  	[tilespmem:s15], [sflag:$0x1] =	stream.linear.gather [hbm4b:s12+s6], $0x80, $0x38;
	[tilespmem:$0x18080] =	vst v63  }
0x17c: {  	s16 =	simm.s32 $0x5F00  }
0x17d: {  	[tilespmem:s16], [sflag:$0x1] =	stream.linear.gather [hbm4b:s13+s6], $0x80, $0x38;
	[tilespmem:$0x18080] =	vst v63  }
0x17e: {  	s17 =	simm.s32 $0x4B80  }
0x17f: {  	[tilespmem:s17], [sflag:$0x1] =	stream.linear.gather [hbm4b:s0+s6], $0x80, $0x38;
	[tilespmem:$0x18080] =	vst v63  }
0x180: {  	s18 =	simm.s32 $0x4F80  }
0x181: {  	[tilespmem:s18], [sflag:$0x1] =	stream.linear.gather [hbm4b:s1+s6], $0x80, $0x38;
	[tilespmem:$0x18080] =	vst v63  }
0x182: {  	s20 =	simm.s32 $0x5380  }
0x183: {  	[tilespmem:s20], [sflag:$0x1] =	stream.linear.gather [hbm4b:s10+s6], $0x80, $0x38;
	[tilespmem:$0x18080] =	vst v63  }
0x184: {  	s21 =	simm.s32 $0x5780  }
0x185: {  	[tilespmem:s21], [sflag:$0x1] =	stream.linear.gather [hbm4b:s11+s6], $0x80, $0x38;
	[tilespmem:$0x18080] =	vst v63  }
0x186: {  	s22 =	simm.s32 $0x5B80  }
0x187: {  	[tilespmem:s22], [sflag:$0x1] =	stream.linear.gather [hbm4b:s12+s6], $0x80, $0x38;
	[tilespmem:$0x18080] =	vst v63  }
0x188: {  	s23 =	simm.s32 $0x5F80  }
0x189: {  	[tilespmem:s23], [sflag:$0x1] =	stream.linear.gather [hbm4b:s13+s6], $0x80, $0x38;
	[tilespmem:$0x18080] =	vst v63  }
0x18a: {  	s24 =	simm.s32 $0x4C00  }
0x18b: {  	[tilespmem:s24], [sflag:$0x1] =	stream.linear.gather [hbm4b:s0+s6], $0x80, $0x38;
	[tilespmem:$0x18080] =	vst v63  }
0x18c: {  	s25 =	simm.s32 $0x5000  }
0x18d: {  	[tilespmem:s25], [sflag:$0x1] =	stream.linear.gather [hbm4b:s1+s6], $0x80, $0x38;
	[tilespmem:$0x18080] =	vst v63  }
0x18e: {  	s26 =	simm.s32 $0x5400  }
0x18f: {  	[tilespmem:s26], [sflag:$0x1] =	stream.linear.gather [hbm4b:s10+s6], $0x80, $0x38;
	[tilespmem:$0x18080] =	vst v63  }
0x190: {  	s28 =	simm.s32 $0x5800  }
0x191: {  	[tilespmem:s28], [sflag:$0x1] =	stream.linear.gather [hbm4b:s11+s6], $0x80, $0x38;
	[tilespmem:$0x18080] =	vst v63  }
0x192: {  	s30 =	simm.s32 $0x5C00  }
0x193: {  	[tilespmem:s30], [sflag:$0x1] =	stream.linear.gather [hbm4b:s12+s6], $0x80, $0x38;
	[tilespmem:$0x18080] =	vst v63  }
.Ltmp2:
0x194: {  	s2 =	simm.s32 $0x0;
	s31 =	simm.s32 $0x6000;
	(pc) =	sbr.rel .LBB2_2-.Ltmp2, $4  }
0x195: {  	[tilespmem:s31], [sflag:$0x1] =	stream.linear.gather [hbm4b:s13+s6], $0x80, $0x38;
	[tilespmem:$0x18080] =	vst v63  }
0x196: {  	s5 =	simm.s32 $0x0;
	s8 =	simm.s32 $0x0;
	_ =	swait.ge [sflag:s29], $0x6000  }
0x197: {  	s16 =	simm.s32 $0x0;
	s17 =	simm.s32 $0x0;
	[sflag:s29] =	ssyncset.done $0x0  }
0x198: {  	s20 =	simm.s32 $0x0;
	s14 =	rddreg [dreg:$0x9];
	[sflag:s29] =	ssyncadd.s32 $0xFFFFA000  }
.LBB2_9:
0x199: {  	p2 =	sge.s32 s22, s23  }
0x19a: {  	s1 =	simm.s32 $0x1;
	s17 =	smov.u32 @p2 s20;
	s20 =	sadd.s32 $0x1, s20  }
0x19b: {  	s1 =	simm.s32 @!p0 $0x0;
	p0 =	sne.s32 s20, $0x20  }
.Ltmp3:
0x19c: {  	_ = 	snop;
	(pc) =	sbr.rel @!p0 .LBB2_10-.Ltmp3, $4  }
0x19d: {  	p1 =	sle.s32 s22, s21  }
0x19e: {  	s0 =	simm.s32 $0x1;
	s2 =	sadd.s32 s1, s2;
	s1 =	simm.s32 $0x1  }
0x19f: {  	s14 =	sadd.s32 $0x1, s14;
	s0 =	simm.s32 @!p1 $0x0;
	s1 =	simm.s32 @!p2 $0x0  }
0x1a0: {  	s16 =	smov.u32 @p2 s21;
	s8 =	sadd.s32 s0, s18;
	s5 =	sadd.s32 s1, s5  }
.LBB2_2:
0x1a1: {  	s24 =	sand.u32 $0xF, s20  }
0x1a2: {  	v0 =	vld [tilespmem:s24+$0x0];
	_ =	sdelay $0x4  }
0x1a3: {  	(v2sf) =	vpush v0, $0x0;
	_ =	sdelay $0xc  }
0x1a4: {  	s0 =	sadd.s32 s20, s9  }
0x1a5: {  	s0 =	sshll.u32 s0, $0x5  }
0x1a6: {  	s21 =	sand.u32 $0x3E0, s0;
	s22 =	spop (v2sf)  }
0x1a7: {  	s25 =	sshrl.u32 s20, $0x4;
	p0 =	sgt.s32 s22, s21  }
0x1a8: {  	s0 =	smul.u32 @!p0 $0xC00000, s25  }
0x1a9: {  	s1 =	smul.u32 @!p0 $0xC0000, s24;
	s3 =	sshrl.u32 @!p0 s21, $0x3  }
0x1aa: {  	s3 =	smul.u32 @!p0 $0x1800, s3  }
0x1ab: {  	s0 =	sadd.s32 @!p0 s1, s0  }
0x1ac: {  	s0 =	sadd.s32 @!p0 s3, s0  }
0x1ad: {  	s31 =	sshrl.u32 s5, $0x1F;
	s0 =	sshrl.u32 @!p0 s0, $0x3  }
0x1ae: {  	s1 =	simm.s32 @!p0 $0x0;
	s3 =	simm.s32 @!p0 $0x80;
	s0 =	sadd.s32 @!p0 s4, s0  }
0x1af: {  	[hbm4b:s0+s1] =	stream.linear.scatter @!p0 [tilespmem:s3], [sflag:$0x1], $0x6000, $0x38;
	[tilespmem:$0x18080] =	vst v63  }
0x1b0: {  	s0 =	sadd.s32 s31, s5  }
0x1b1: {  	s0 =	sand.u32 $0xFFFFFFFE, s0  }
0x1b2: {  	s0 =	ssub.s32 s5, s0  }
0x1b3: {  	s23 =	sadd.s32 $0x20, s21;
	p1 =	sne.s32 s0, $0x0  }
0x1b4: {  	p2 =	slt.s32 @!p1 s22, s23  }
0x1b5: {  	p1 =	por p1, p2  }
.Ltmp4:
0x1b6: {  	_ = 	snop;
	(pc) =	sbr.rel @p1 .LBB2_4-.Ltmp4, $2  }
0x1b7: {  	_ =	sdelay $0x2  }
0x1b8: {  	s18 =	smov.u32 s8  }
0x1b9: {  	s0 =	smul.u32 $0xC00000, s25  }
0x1ba: {  	s1 =	smul.u32 $0xC0000, s24;
	s3 =	sshrl.u32 s21, $0x3;
	p1 =	slt.s32 s5, $0x2  }
0x1bb: {  	s3 =	smul.u32 $0x1800, s3;
	s8 =	simm.s32 @!p1 $0x3  }
0x1bc: {  	s0 =	sadd.s32 s1, s0;
	_ =	swait.ge @!p1 [sflag:s8], $0x6000  }
0x1bd: {  	s0 =	sadd.s32 s3, s0;
	[sflag:s8] =	ssyncset.done @!p1 $0x0  }
0x1be: {  	s0 =	sshrl.u32 s0, $0x3;
	[sflag:s8] =	ssyncadd.s32 @!p1 $0xFFFFA000;
	p1 =	slt.s32 s5, $0x1  }
0x1bf: {  	s31 =	simm.s32 $0x6080;
	s0 =	sadd.s32 s19, s0;
	s1 =	sand.u32 @!p1 $0xF, s17  }
0x1c0: {  	[tilespmem:s31], [sflag:$0x5] =	stream.linear.gather [hbm4b:s0+s6], $0x6000, $0x38;
	[tilespmem:$0x18080] =	vst v63  }
0x1c1: {  	s0 =	sshrl.u32 @!p1 s17, $0x4;
	s1 =	smul.u32 @!p1 $0xC0000, s1  }
0x1c2: {  	s3 =	sshrl.u32 @!p1 s16, $0x3;
	s0 =	smul.u32 @!p1 $0xC00000, s0  }
0x1c3: {  	s8 =	simm.s32 @!p1 $0x6;
	s3 =	smul.u32 @!p1 $0x1800, s3  }
.Ltmp5:
0x1c4: {  	_ =	swait.ge @!p1 [sflag:s8], $0x6000;
	s0 =	sadd.s32 @!p1 s1, s0;
	(pc) =	sbr.rel .LBB2_5-.Ltmp5, $4  }
0x1c5: {  	[sflag:s8] =	ssyncset.done @!p1 $0x0;
	s0 =	sadd.s32 @!p1 s3, s0  }
0x1c6: {  	[sflag:s8] =	ssyncadd.s32 @!p1 $0xFFFFA000;
	s0 =	sshrl.u32 @!p1 s0, $0x3  }
0x1c7: {  	s1 =	simm.s32 @!p1 $0x0;
	s3 =	simm.s32 @!p1 $0xC080;
	s0 =	sadd.s32 @!p1 s4, s0  }
0x1c8: {  	[hbm4b:s0+s1] =	stream.linear.scatter @!p1 [tilespmem:s3], [sflag:$0x4], $0x6000, $0x38;
	[tilespmem:$0x18080] =	vst v63  }
.LBB2_4:
0x1c9: {  	p2 =	sne.s32 s0, $0x1  }
0x1ca: {  	p3 =	slt.s32 @!p2 s22, s23  }
0x1cb: {  	p1 =	por p3, p2  }
0x1cc: {  	p4 =	slt.s32 @!p1 s5, $0x2;
	s0 =	smul.u32 @!p1 $0xC00000, s25  }
0x1cd: {  	s1 =	smul.u32 @!p1 $0xC0000, s24;
	s3 =	sshrl.u32 @!p1 s21, $0x3;
	p3 =	por @!p2 p4, p3  }
0x1ce: {  	s3 =	smul.u32 @!p1 $0x1800, s3;
	p2 =	por p3, p2  }
0x1cf: {  	s0 =	sadd.s32 @!p1 s1, s0;
	s8 =	simm.s32 @!p2 $0x4  }
0x1d0: {  	s0 =	sadd.s32 @!p1 s3, s0;
	_ =	swait.ge @!p2 [sflag:s8], $0x6000  }
0x1d1: {  	s1 =	simm.s32 @!p1 $0x0;
	s0 =	sshrl.u32 @!p1 s0, $0x3;
	[sflag:s8] =	ssyncset.done @!p2 $0x0  }
0x1d2: {  	s3 =	simm.s32 @!p1 $0xC080;
	s0 =	sadd.s32 @!p1 s19, s0;
	[sflag:s8] =	ssyncadd.s32 @!p2 $0xFFFFA000  }
0x1d3: {  	[tilespmem:s3], [sflag:$0x6] =	stream.linear.gather @!p1 [hbm4b:s0+s1], $0x6000, $0x38;
	[tilespmem:$0x18080] =	vst v63  }
0x1d4: {  	s0 =	sshrl.u32 @!p1 s17, $0x4  }
0x1d5: {  	s3 =	sand.u32 @!p1 $0xF, s17;
	s0 =	smul.u32 @!p1 $0xC00000, s0  }
0x1d6: {  	s8 =	sshrl.u32 @!p1 s16, $0x3;
	s3 =	smul.u32 @!p1 $0xC0000, s3  }
0x1d7: {  	s8 =	smul.u32 @!p1 $0x1800, s8  }
0x1d8: {  	s0 =	sadd.s32 @!p1 s3, s0;
	s3 =	simm.s32 @!p1 $0x5  }
0x1d9: {  	s0 =	sadd.s32 @!p1 s8, s0;
	_ =	swait.ge @!p1 [sflag:s3], $0x6000  }
0x1da: {  	[sflag:s3] =	ssyncset.done @!p1 $0x0;
	s0 =	sshrl.u32 @!p1 s0, $0x3  }
0x1db: {  	[sflag:s3] =	ssyncadd.s32 @!p1 $0xFFFFA000;
	s0 =	sadd.s32 @!p1 s4, s0;
	s3 =	simm.s32 @!p1 $0x6080  }
0x1dc: {  	[hbm4b:s0+s1] =	stream.linear.scatter @!p1 [tilespmem:s3], [sflag:$0x3], $0x6000, $0x38;
	[tilespmem:$0x18080] =	vst v63  }
.LBB2_5:
0x1dd: {  	p1 =	slt.s32 s22, s23  }
0x1de: {  	p0 =	por !p0, !p1  }
0x1df: {  	p0 =	por !p0, !p0  }
.Ltmp6:
0x1e0: {  	_ = 	snop;
	(pc) =	sbr.rel @!p0 .LBB2_9-.Ltmp6, $1  }
0x1e1: {  	_ =	sdelay $0x3  }
0x1e2: {  	s0 =	smul.u32 $0xC00000, s25;
	s1 =	sand.u32 $0x1F, s14  }
0x1e3: {  	s3 =	smul.u32 $0xC0000, s24;
	s8 =	sshrl.u32 s21, $0x3;
	p1 =	slt.s32 s2, $0x1  }
0x1e4: {  	s7 =	smov.u32 s19;
	s1 =	sshll.u32 s1, $0x5;
	s8 =	smul.u32 $0x1800, s8  }
0x1e5: {  	[dreg:$0x6] =	wrdreg s1;
	s1 =	simm.s32 @!p1 $0x2;
	s24 =	sadd.s32 s3, s0  }
0x1e6: {  	s15 =	simm.s32 $0x12080;
	_ =	swait.ge @!p1 [sflag:s1], $0x6000;
	s0 =	sadd.s32 s24, s8  }
0x1e7: {  	s8 =	simm.s32 $0x0;
	[sflag:s1] =	ssyncset.done @!p1 $0x0;
	s0 =	sshrl.u32 s0, $0x3  }
0x1e8: {  	[sflag:s1] =	ssyncadd.s32 @!p1 $0xFFFFA000;
	s0 =	sadd.s32 s19, s0;
	s19 =	simm.s32 $0x7  }
0x1e9: {  	[tilespmem:s15], [sflag:$0x7] =	stream.linear.gather [hbm4b:s0+s8], $0x6000, $0x38;
	[tilespmem:$0x18080] =	vst v63  }
0x1ea: {  	_ =	swait.ge [sflag:s19], $0x6000  }
0x1eb: {  	s25 =	rddreg [dreg:$0x6]  }
0x1ec: {  	s0 =	sadd.s32 $0x0, s25  }
0x1ed: {  	s0 =	sshrl.u32 s0, $0x3  }
0x1ee: {  	s26 =	ssub.s32 s22, s21;
	s0 =	smul.u32 $0x1800, s0  }
0x1ef: {  	s28 =	simm.s32 $0x80;
	s1 =	sand.u32 $0x380, s8;
	[dreg:$0x5] =	wrdreg s26  }
0x1f0: {  	s3 =	rddreg [dreg:$0x5];
	[sflag:s19] =	ssyncset.done $0x0;
	s0 =	sadd.s32 s24, s0  }
0x1f1: {  	[sflag:s19] =	ssyncadd.s32 $0xFFFFA000;
	p1 =	sle.s32 s3, $0x0;
	s0 =	sor.u32 s1, s0  }
0x1f2: {  	s25 =	simm.s32 $0x1;
	s3 =	simm.s32 @p1 $0x0;
	s0 =	sshrl.u32 s0, $0x3  }
0x1f3: {  	s8 =	simm.s32 @p1 $0x480;
	s26 =	sadd.s32 s4, s0;
	s0 =	simm.s32 @p1 $0x80  }
0x1f4: {  	[hbm4b:s26+s3] =	stream.linear.scatter @p1 [tilespmem:s0], [sflag:$0x2], $0x80, $0x38;
	[tilespmem:$0x18080] =	vst v63  }
0x1f5: {  	s15 =	simm.s32 @!p1 $0x0;
	s19 =	simm.s32 @p1 $0x1080;
	s0 =	sadd.s32 @p1 $0x80, s26  }
0x1f6: {  	[hbm4b:s0+s3] =	stream.linear.scatter @p1 [tilespmem:s8], [sflag:$0x2], $0x80, $0x38;
	[tilespmem:$0x18080] =	vst v63  }
0x1f7: {  	s15 =	smul.u32 @!p1 $0x6000, s15;
	s0 =	sadd.s32 @p1 $0x100, s26;
	s8 =	simm.s32 @p1 $0x880  }
0x1f8: {  	[hbm4b:s0+s3] =	stream.linear.scatter @p1 [tilespmem:s8], [sflag:$0x2], $0x80, $0x38;
	[tilespmem:$0x18080] =	vst v63  }
0x1f9: {  	s15 =	sshra.s32 @!p1 s15, $0x2;
	s0 =	sadd.s32 @p1 $0x180, s26;
	s8 =	simm.s32 @p1 $0xC80  }
0x1fa: {  	[hbm4b:s0+s3] =	stream.linear.scatter @p1 [tilespmem:s8], [sflag:$0x2], $0x80, $0x38;
	[tilespmem:$0x18080] =	vst v63  }
0x1fb: {  	s8 =	sadd.s32 @p1 $0x200, s26;
	s0 =	sor.u32 @!p1 s1, s15;
	s15 =	rddreg [dreg:$0x6]  }
0x1fc: {  	[hbm4b:s8+s3] =	stream.linear.scatter @p1 [tilespmem:s19], [sflag:$0x2], $0x80, $0x38;
	[tilespmem:$0x18080] =	vst v63  }
0x1fd: {  	s31 =	simm.s32 @!p1 $0x0;
	s30 =	sadd.s32 @!p1 $0x12080, s0;
	s1 =	sadd.s32 $0x1, s15  }
0x1fe: {  	[hbm4b:s26+s31] =	stream.linear.scatter @!p1 [tilespmem:s30], [sflag:$0x2], $0x80, $0x38;
	[tilespmem:$0x18080] =	vst v63  }
0x1ff: {  	s15 =	sadd.s32 @!p1 $0x180, s26;
	s3 =	sadd.s32 @!p1 $0x400, s30;
	s8 =	sadd.s32 @!p1 $0x80, s26  }
0x200: {  	[hbm4b:s8+s31] =	stream.linear.scatter @!p1 [tilespmem:s3], [sflag:$0x2], $0x80, $0x38;
	[tilespmem:$0x18080] =	vst v63  }
0x201: {  	s19 =	simm.s32 $0x2;
	s3 =	sadd.s32 @!p1 $0x800, s30;
	s8 =	sadd.s32 @!p1 $0x100, s26  }
0x202: {  	[hbm4b:s8+s31] =	stream.linear.scatter @!p1 [tilespmem:s3], [sflag:$0x2], $0x80, $0x38;
	[tilespmem:$0x18080] =	vst v63  }
0x203: {  	s8 =	rddreg [dreg:$0x5];
	s3 =	sshrl.u32 s1, $0x3;
	s1 =	sadd.s32 @!p1 $0xC00, s30  }
.LBB2_7:
0x204: {  	[hbm4b:s15+s31] =	stream.linear.scatter @!p1 [tilespmem:s1], [sflag:$0x2], $0x80, $0x38;
	[tilespmem:$0x18080] =	vst v63  }
0x205: {  	s1 =	smov.u32 s25;
	s25 =	smov.u32 s19  }
0x206: {  	s15 =	sadd.s32 @!p1 $0x1000, s30;
	s30 =	sadd.s32 @!p1 $0x200, s26;
	s0 =	sadd.s32 @!p1 $0x13480, s0  }
0x207: {  	[hbm4b:s30+s31] =	stream.linear.scatter @!p1 [tilespmem:s15], [sflag:$0x2], $0x80, $0x38;
	[tilespmem:$0x18080] =	vst v63  }
0x208: {  	s3 =	smul.u32 $0x1800, s3;
	s26 =	sadd.s32 $0x280, s26;
	s0 =	simm.s32 @p1 $0x1480  }
0x209: {  	[hbm4b:s26+s6] =	stream.linear.scatter [tilespmem:s0], [sflag:$0x2], $0x80, $0x38;
	[tilespmem:$0x18080] =	vst v63  }
0x20a: {  	s19 =	sadd.s32 $0x1, s19;
	s26 =	sadd.s32 s24, s3;
	s3 =	sand.u32 $0x380, s28  }
0x20b: {  	p2 =	sne.s32 s19, $0x20;
	p1 =	sge.s32 s1, s8;
	s0 =	sor.u32 s3, s26  }
0x20c: {  	s8 =	rddreg [dreg:$0x5];
	s15 =	simm.s32 @p1 $0x0;
	s0 =	sshrl.u32 s0, $0x3  }
0x20d: {  	s30 =	simm.s32 @p1 $0x480;
	s26 =	sadd.s32 s4, s0;
	s0 =	simm.s32 @p1 $0x80  }
0x20e: {  	[hbm4b:s26+s15] =	stream.linear.scatter @p1 [tilespmem:s0], [sflag:$0x2], $0x80, $0x38;
	[tilespmem:$0x18080] =	vst v63  }
0x20f: {  	s1 =	sshrl.u32 @!p1 s1, $0x3;
	s31 =	simm.s32 @p1 $0x1080;
	s0 =	sadd.s32 @p1 $0x80, s26  }
0x210: {  	[hbm4b:s0+s15] =	stream.linear.scatter @p1 [tilespmem:s30], [sflag:$0x2], $0x80, $0x38;
	[tilespmem:$0x18080] =	vst v63  }
0x211: {  	s1 =	smul.u32 @!p1 $0x6000, s1;
	s0 =	sadd.s32 @p1 $0x100, s26;
	s30 =	simm.s32 @p1 $0x880  }
0x212: {  	[hbm4b:s0+s15] =	stream.linear.scatter @p1 [tilespmem:s30], [sflag:$0x2], $0x80, $0x38;
	[tilespmem:$0x18080] =	vst v63  }
0x213: {  	s1 =	sshra.s32 @!p1 s1, $0x2;
	s0 =	sadd.s32 @p1 $0x180, s26;
	s30 =	simm.s32 @p1 $0xC80  }
0x214: {  	[hbm4b:s0+s15] =	stream.linear.scatter @p1 [tilespmem:s30], [sflag:$0x2], $0x80, $0x38;
	[tilespmem:$0x18080] =	vst v63  }
0x215: {  	s28 =	sadd.s32 $0x80, s28;
	s30 =	sadd.s32 @p1 $0x200, s26;
	s0 =	sor.u32 @!p1 s3, s1  }
0x216: {  	[hbm4b:s30+s15] =	stream.linear.scatter @p1 [tilespmem:s31], [sflag:$0x2], $0x80, $0x38;
	[tilespmem:$0x18080] =	vst v63  }
0x217: {  	s1 =	rddreg [dreg:$0x6];
	s30 =	sadd.s32 @!p1 $0x12080, s0;
	s31 =	simm.s32 @!p1 $0x0  }
0x218: {  	[hbm4b:s26+s31] =	stream.linear.scatter @!p1 [tilespmem:s30], [sflag:$0x2], $0x80, $0x38;
	[tilespmem:$0x18080] =	vst v63  }
.Ltmp7:
0x219: {  	s15 =	sadd.s32 @!p1 $0x80, s26;
	s3 =	sadd.s32 @!p1 $0x400, s30;
	(pc) =	sbr.rel @p2 .LBB2_7-.Ltmp7, $4  }
0x21a: {  	[hbm4b:s15+s31] =	stream.linear.scatter @!p1 [tilespmem:s3], [sflag:$0x2], $0x80, $0x38;
	[tilespmem:$0x18080] =	vst v63  }
0x21b: {  	s1 =	sadd.s32 s25, s1;
	s3 =	sadd.s32 @!p1 $0x800, s30;
	s15 =	sadd.s32 @!p1 $0x100, s26  }
0x21c: {  	[hbm4b:s15+s31] =	stream.linear.scatter @!p1 [tilespmem:s3], [sflag:$0x2], $0x80, $0x38;
	[tilespmem:$0x18080] =	vst v63  }
0x21d: {  	s3 =	sshrl.u32 s1, $0x3;
	s1 =	sadd.s32 @!p1 $0xC00, s30;
	s15 =	sadd.s32 @!p1 $0x180, s26  }
0x21e: {  	[hbm4b:s15+s31] =	stream.linear.scatter @!p1 [tilespmem:s1], [sflag:$0x2], $0x80, $0x38;
	[tilespmem:$0x18080] =	vst v63  }
0x21f: {  	s1 =	sadd.s32 @!p1 $0x1000, s30;
	s15 =	sadd.s32 @!p1 $0x200, s26  }
0x220: {  	s0 =	sadd.s32 @!p1 $0x13480, s0;
	s19 =	smul.u32 $0x1800, s3;
	s30 =	sadd.s32 $0x280, s26  }
0x221: {  	[hbm4b:s15+s31] =	stream.linear.scatter @!p1 [tilespmem:s1], [sflag:$0x2], $0x80, $0x38;
	[tilespmem:$0x18080] =	vst v63  }
0x222: {  	s0 =	simm.s32 @p1 $0x1480;
	s31 =	sadd.s32 s24, s19;
	s1 =	sand.u32 $0x380, s28  }
0x223: {  	[hbm4b:s30+s6] =	stream.linear.scatter [tilespmem:s0], [sflag:$0x2], $0x80, $0x38;
	[tilespmem:$0x18080] =	vst v63  }
0x224: {  	s0 =	sor.u32 s1, s31  }
0x225: {  	p1 =	sge.s32 s25, s8;
	s0 =	sshrl.u32 s0, $0x3  }
0x226: {  	s3 =	simm.s32 @p1 $0x0;
	s8 =	simm.s32 @p1 $0x80;
	s0 =	sadd.s32 s4, s0  }
0x227: {  	[hbm4b:s0+s3] =	stream.linear.scatter @p1 [tilespmem:s8], [sflag:$0x2], $0x80, $0x38;
	[tilespmem:$0x18080] =	vst v63  }
0x228: {  	s15 =	simm.s32 @p1 $0x480;
	s19 =	sshrl.u32 @!p1 s25, $0x3;
	s8 =	sadd.s32 @p1 $0x80, s0  }
0x229: {  	[hbm4b:s8+s3] =	stream.linear.scatter @p1 [tilespmem:s15], [sflag:$0x2], $0x80, $0x38;
	[tilespmem:$0x18080] =	vst v63  }
0x22a: {  	s19 =	smul.u32 @!p1 $0x6000, s19;
	s8 =	sadd.s32 @p1 $0x100, s0;
	s15 =	simm.s32 @p1 $0x880  }
0x22b: {  	[hbm4b:s8+s3] =	stream.linear.scatter @p1 [tilespmem:s15], [sflag:$0x2], $0x80, $0x38;
	[tilespmem:$0x18080] =	vst v63  }
0x22c: {  	s19 =	sshra.s32 @!p1 s19, $0x2;
	s8 =	sadd.s32 @p1 $0x180, s0;
	s15 =	simm.s32 @p1 $0xC80  }
0x22d: {  	[hbm4b:s8+s3] =	stream.linear.scatter @p1 [tilespmem:s15], [sflag:$0x2], $0x80, $0x38;
	[tilespmem:$0x18080] =	vst v63  }
0x22e: {  	s1 =	sor.u32 @!p1 s1, s19;
	s8 =	sadd.s32 @p1 $0x200, s0;
	s15 =	simm.s32 @p1 $0x1080  }
0x22f: {  	[hbm4b:s8+s3] =	stream.linear.scatter @p1 [tilespmem:s15], [sflag:$0x2], $0x80, $0x38;
	[tilespmem:$0x18080] =	vst v63  }
0x230: {  	s3 =	sadd.s32 @!p1 $0x12080, s1;
	s8 =	simm.s32 @!p1 $0x0  }
0x231: {  	[hbm4b:s0+s8] =	stream.linear.scatter @!p1 [tilespmem:s3], [sflag:$0x2], $0x80, $0x38;
	[tilespmem:$0x18080] =	vst v63  }
0x232: {  	s19 =	sadd.s32 @!p1 $0x80, s0;
	s15 =	sadd.s32 @!p1 $0x400, s3  }
0x233: {  	[hbm4b:s19+s8] =	stream.linear.scatter @!p1 [tilespmem:s15], [sflag:$0x2], $0x80, $0x38;
	[tilespmem:$0x18080] =	vst v63  }
0x234: {  	s15 =	sadd.s32 @!p1 $0x800, s3;
	s19 =	sadd.s32 @!p1 $0x100, s0  }
0x235: {  	[hbm4b:s19+s8] =	stream.linear.scatter @!p1 [tilespmem:s15], [sflag:$0x2], $0x80, $0x38;
	[tilespmem:$0x18080] =	vst v63  }
0x236: {  	s15 =	sadd.s32 @!p1 $0xC00, s3;
	s19 =	sadd.s32 @!p1 $0x180, s0  }
0x237: {  	[hbm4b:s19+s8] =	stream.linear.scatter @!p1 [tilespmem:s15], [sflag:$0x2], $0x80, $0x38;
	[tilespmem:$0x18080] =	vst v63  }
.Ltmp8:
0x238: {  	_ = 	snop;
	(pc) =	sbr.rel .LBB2_9-.Ltmp8, $4  }
0x239: {  	s1 =	sadd.s32 @!p1 $0x13480, s1;
	s3 =	sadd.s32 @!p1 $0x1000, s3;
	s15 =	sadd.s32 @!p1 $0x200, s0  }
0x23a: {  	[hbm4b:s15+s8] =	stream.linear.scatter @!p1 [tilespmem:s3], [sflag:$0x2], $0x80, $0x38;
	[tilespmem:$0x18080] =	vst v63  }
0x23b: {  	s1 =	simm.s32 @p1 $0x1480;
	s0 =	sadd.s32 $0x280, s0;
	s19 =	smov.u32 s7  }
0x23c: {  	[hbm4b:s0+s6] =	stream.linear.scatter [tilespmem:s1], [sflag:$0x2], $0x80, $0x38;
	[tilespmem:$0x18080] =	vst v63  }
.LBB2_10:
0x23d: {  	p0 =	slt.s32 s5, $0x1  }
0x23e: {  	s1 =	sshrl.u32 @!p0 s17, $0x4  }
0x23f: {  	s3 =	sand.u32 @!p0 $0xF, s17;
	s15 =	sand.u32 @!p0 $0x1, s5;
	s1 =	smul.u32 @!p0 $0xC00000, s1  }
0x240: {  	s14 =	sshrl.u32 @!p0 s16, $0x3;
	s3 =	smul.u32 @!p0 $0xC0000, s3;
	p1 =	seq.s32 @!p0 s15, $0x0  }
0x241: {  	s14 =	smul.u32 @!p0 $0x1800, s14;
	p2 =	por !p1, p0  }
0x242: {  	s1 =	sadd.s32 @!p0 s3, s1;
	s3 =	simm.s32 @!p2 $0x6  }
0x243: {  	p1 =	por p1, p0;
	s1 =	sadd.s32 @!p0 s14, s1;
	_ =	swait.ge @!p2 [sflag:s3], $0x6000  }
0x244: {  	s14 =	simm.s32 @!p2 $0xC080;
	s1 =	sshrl.u32 @!p0 s1, $0x3;
	[sflag:s3] =	ssyncset.done @!p2 $0x0  }
0x245: {  	s1 =	sadd.s32 @!p0 s4, s1;
	[sflag:s3] =	ssyncadd.s32 @!p2 $0xFFFFA000;
	s3 =	simm.s32 @!p2 $0x0  }
0x246: {  	[hbm4b:s1+s3] =	stream.linear.scatter @!p2 [tilespmem:s14], [sflag:$0x4], $0x6000, $0x38;
	[tilespmem:$0x18080] =	vst v63  }
0x247: {  	s3 =	simm.s32 @!p1 $0x5  }
0x248: {  	_ =	swait.ge @!p1 [sflag:s3], $0x6000  }
0x249: {  	[sflag:s3] =	ssyncset.done @!p1 $0x0  }
0x24a: {  	s14 =	simm.s32 @!p1 $0x6080;
	[sflag:s3] =	ssyncadd.s32 @!p1 $0xFFFFA000;
	s3 =	simm.s32 @!p1 $0x0  }
0x24b: {  	[hbm4b:s1+s3] =	stream.linear.scatter @!p1 [tilespmem:s14], [sflag:$0x3], $0x6000, $0x38;
	[tilespmem:$0x18080] =	vst v63  }
0x24c: {  	p1 =	slt.s32 s8, $0x1  }
.Ltmp9:
0x24d: {  	_ = 	snop;
	(pc) =	sbr.rel @p1 .LBB2_14-.Ltmp9, $2  }
0x24e: {  	_ =	sdelay $0x2  }
0x24f: {  	s1 =	rddreg [dreg:$0xa]  }
0x250: {  	s0 =	sadd.s32 s0, s18  }
0x251: {  	p1 =	sne.s32 s0, $0x1  }
.Ltmp10:
0x252: {  	_ = 	snop;
	(pc) =	sbr.rel @!p1 .LBB2_13-.Ltmp10, $3  }
0x253: {  	_ =	sdelay $0x1  }
0x254: {  	_ =	swait.ge [sflag:s29], $0x6000  }
0x255: {  	s0 =	sadd.s32 $0xFFFFFFFF, s0;
	[sflag:s29] =	ssyncset.done $0x0  }
.LBB2_12:
0x256: {  	p1 =	sne.s32 s0, $0x1;
	s0 =	sadd.s32 $0xFFFFFFFF, s0;
	[sflag:s29] =	ssyncadd.s32 $0xFFFFA000  }
.Ltmp11:
0x257: {  	(pc) =	sbr.rel @p1 .LBB2_12-.Ltmp11, $3  }
0x258: {  	_ =	sdelay $0x1  }
0x259: {  	_ =	swait.ge [sflag:s29], $0x6000  }
0x25a: {  	[sflag:s29] =	ssyncset.done $0x0  }
.LBB2_13:
0x25b: {  	[sflag:s29] =	ssyncadd.s32 $0xFFFFA000  }
.LBB2_14:
.Ltmp12:
0x25c: {  	p1 =	slt.s32 s2, $0x1;
	(pc) =	sbr.rel @p0 .LBB2_17-.Ltmp12, $4  }
0x25d: {  	s0 =	simm.s32 @!p1 $0x2  }
0x25e: {  	_ =	swait.ge @!p1 [sflag:s0], $0x6000  }
0x25f: {  	[sflag:s0] =	ssyncset.done @!p1 $0x0  }
0x260: {  	[sflag:s0] =	ssyncadd.s32 @!p1 $0xFFFFA000  }
0x261: {  	s0 =	sand.u32 $0x1, s5  }
0x262: {  	p1 =	seq.s32 s0, $0x0  }
0x263: {  	s0 =	simm.s32 @p1 $0x4  }
0x264: {  	_ =	swait.ge @p1 [sflag:s0], $0x6000  }
0x265: {  	p0 =	seq.s32 s5, $0x1;
	[sflag:s0] =	ssyncset.done @p1 $0x0  }
.Ltmp13:
0x266: {  	[sflag:s0] =	ssyncadd.s32 @p1 $0xFFFFA000;
	s0 =	simm.s32 @p1 $0x3;
	(pc) =	sbr.rel @p0 .LBB2_17-.Ltmp13, $4  }
0x267: {  	s0 =	simm.s32 @!p1 $0x3  }
0x268: {  	_ =	swait.ge @!p1 [sflag:s0], $0x6000  }
0x269: {  	[sflag:s0] =	ssyncset.done @!p1 $0x0  }
0x26a: {  	[sflag:s0] =	ssyncadd.s32 @!p1 $0xFFFFA000;
	s0 =	simm.s32 @!p1 $0x4  }
.Ltmp14:
0x26b: {  	(pc) =	sbr.rel .LBB2_17-.Ltmp14, $4  }
0x26c: {  	_ = 	snop  }
0x26d: {  	_ =	swait.ge [sflag:s0], $0x6000  }
0x26e: {  	[sflag:s0] =	ssyncset.done $0x0  }
0x26f: {  	[sflag:s0] =	ssyncadd.s32 $0xFFFFA000  }
.LBB2_18:
0x270: {  	_ =	sfence.sel $0x180000  }
0x271: {  	[bflag:$0x0] =	sbarrier.arrive $0xFFFF  }
0x272: {  	_ =	strace $0x90000047  }
0x273: {  	s0 =	stileid.u32;
	[bflag:$0x2] =	sbarrier.arrive $0xFFFF  }
0x274: {  	p0 =	sne.s32 s0, $0x0;
	s0 =	rddreg [dreg:$0x4]  }
0x275: {  	s0 =	sadd.s32 @!p0 $0x100000, s0  }
0x276: {  	[sflag:s0] =	ssyncadd.tile.s32 @!p0 $0x1;
	_ =	shalt  }
.Lfunc_end2:
_tile_overlayer_lowered:
.L_overlay_start_2:
0x277: {  	(tag) =	ssettag $0x2  }
0x278: {  	s0 =	rddreg [dreg:$0x0];
	s2 =	stileid.u32  }
0x279: {  	s1 =	rddreg [dreg:$0x1];
	p0 =	sne.s32 s2, $0x0  }
0x27a: {  	s3 =	rddreg [dreg:$0x2];
	[bflag:$0x3] =	sbarrier.arrive $0xFFFF;
	s2 =	simm.s32 @!p0 $0x1C07  }
0x27b: {  	[timem:s3], [sflag:s2] =	dma.local @!p0 [hbm:s0], s1  }
0x27c: {  	s0 =	simm.s32 @!p0 $0x7  }
0x27d: {  	_ =	swait.ge @!p0 [sflag:s0], s1  }
0x27e: {  	s1 =	ssub.s32 @!p0 $0x0, s1;
	[sflag:s0] =	ssyncset.done @!p0 $0x0  }
0x27f: {  	[sflag:s0] =	ssyncadd.s32 @!p0 s1  }
0x280: {  	[bflag:$0x3] =	sbarrier.arrive $0xFFFF  }
0x281: {  	_ =	shalt  }

</sc_bundles>
